<compile_context>
chip_gen: v7x
topology: tpu7x:2x2x1
jax: 0.10.2.dev20260603
libtpu: 0.0.44.dev20260713+nightly
codegen_flags: <defaults>
</compile_context>

<pallas_src>
import functools

import jax
import jax.numpy as jnp
from jax import lax
from jax.experimental import pallas as pl
from jax.experimental.pallas import tpu as pltpu
from jax.experimental.pallas import tpu_sc as plsc

NC = 2
NS = 16
NW = NC * NS
LANE = 128


def _sc_mesh():
    return plsc.VectorSubcoreMesh(
        core_axis_name="c", subcore_axis_name="s", num_cores=NC, num_subcores=NS
    )


def _row_chunks(total, step):
    out = []
    base = 0
    while base < total:
        out.append((base, min(step, total - base)))
        base += step
    return out


def _propagate_partials(y, col3, row3, n2, ch):
    c_feat = y.shape[1]
    rpt = n2 // NS
    chunks = _row_chunks(rpt, LANE)

    @functools.partial(
        pl.kernel,
        out_type=jax.ShapeDtypeStruct((NC, n2, c_feat), jnp.float32),
        mesh=_sc_mesh(),
        scratch_types=[
            pltpu.VMEM((ch, LANE), jnp.int32),
            pltpu.VMEM((ch, LANE), jnp.int32),
            pltpu.VMEM((LANE, c_feat), jnp.float32),
            pltpu.VMEM_SHARED((n2, c_feat), jnp.float32),
        ],
    )
    def body(y_hbm, col_hbm, row_hbm, out_hbm, col_v, row_v, gbuf, acc_sh):
        c = lax.axis_index("c")
        s = lax.axis_index("s")
        wid = c * NS + s
        for off, sz in chunks:
            base = s * rpt + off
            pltpu.sync_copy(y_hbm.at[pl.ds(base, sz)], gbuf.at[pl.ds(0, sz)])
            pltpu.sync_copy(gbuf.at[pl.ds(0, sz)], acc_sh.at[pl.ds(base, sz)])
        pltpu.sync_copy(col_hbm.at[wid], col_v)
        pltpu.sync_copy(row_hbm.at[wid], row_v)
        plsc.subcore_barrier()

        def step(j, carry):
            pltpu.sync_copy(y_hbm.at[col_v.at[j]], gbuf)
            pltpu.sync_copy(gbuf, acc_sh.at[row_v.at[j]], add=True)
            return carry

        lax.fori_loop(0, ch, step, 0)
        plsc.subcore_barrier()
        for off, sz in chunks:
            base = s * rpt + off
            pltpu.sync_copy(acc_sh.at[pl.ds(base, sz)], gbuf.at[pl.ds(0, sz)])
            pltpu.sync_copy(gbuf.at[pl.ds(0, sz)], out_hbm.at[c, pl.ds(base, sz)])

    return body(y, col3, row3)


def _count_partials(ones_tab, row3, n2, ch):
    c_feat = ones_tab.shape[1]
    rpt = n2 // NS
    chunks = _row_chunks(rpt, LANE)

    @functools.partial(
        pl.kernel,
        out_type=jax.ShapeDtypeStruct((NC, n2, c_feat), jnp.float32),
        mesh=_sc_mesh(),
        scratch_types=[
            pltpu.VMEM((ch, LANE), jnp.int32),
            pltpu.VMEM((LANE, c_feat), jnp.float32),
            pltpu.VMEM_SHARED((n2, c_feat), jnp.float32),
        ],
    )
    def body(ones_hbm, row_hbm, out_hbm, row_v, gbuf, acc_sh):
        c = lax.axis_index("c")
        s = lax.axis_index("s")
        wid = c * NS + s
        for off, sz in chunks:
            base = s * rpt + off
            pltpu.sync_copy(ones_hbm.at[pl.ds(base, sz)], gbuf.at[pl.ds(0, sz)])
            pltpu.sync_copy(gbuf.at[pl.ds(0, sz)], acc_sh.at[pl.ds(base, sz)])
        pltpu.sync_copy(ones_hbm.at[pl.ds(0, LANE)], gbuf)
        pltpu.sync_copy(row_hbm.at[wid], row_v)
        plsc.subcore_barrier()

        def step(j, carry):
            pltpu.sync_copy(gbuf, acc_sh.at[row_v.at[j]], add=True)
            return carry

        lax.fori_loop(0, ch, step, 0)
        plsc.subcore_barrier()
        for off, sz in chunks:
            base = s * rpt + off
            pltpu.sync_copy(acc_sh.at[pl.ds(base, sz)], gbuf.at[pl.ds(0, sz)])
            pltpu.sync_copy(gbuf.at[pl.ds(0, sz)], out_hbm.at[c, pl.ds(base, sz)])

    return body(ones_tab, row3)


def _scale_body(d_ref, x_ref, y_ref, dv_ref):
    deg = d_ref[...] - 1.0
    dinv = lax.rsqrt(deg)
    dv_ref[...] = dinv
    y_ref[...] = dinv * x_ref[...]


def _final_body(dv_ref, y_ref, q0_ref, q1_ref, w_ref, b_ref, o_ref):
    a = dv_ref[...] * (q0_ref[...] + q1_ref[...] - y_ref[...])
    o_ref[...] = (
        jnp.dot(a, w_ref[...], preferred_element_type=jnp.float32) + b_ref[...]
    )


def kernel(x, edge_index, W, b):
    n, c_feat = x.shape
    e = edge_index.shape[1]
    n2 = -(-(n + 1) // LANE) * LANE
    ch = -(-e // (NW * LANE))
    pad = NW * ch * LANE - e

    row = edge_index[0]
    col = edge_index[1]
    row_p = jnp.concatenate([row, jnp.full((pad,), n, dtype=jnp.int32)])
    col_p = jnp.concatenate([col, jnp.zeros((pad,), dtype=jnp.int32)])
    row3 = row_p.reshape(NW, ch, LANE)
    col3 = col_p.reshape(NW, ch, LANE)
    x_pad = jnp.concatenate(
        [x, jnp.zeros((n2 - n, c_feat), jnp.float32)], axis=0)

    ones_tab = jnp.ones((n2, c_feat), jnp.float32)
    qd = _count_partials(ones_tab, row3, n2, ch)
    d2 = qd[0, :, 0:1] + qd[1, :, 0:1]

    blk = LANE
    nblk = n2 // blk
    y, dv = pl.pallas_call(
        _scale_body,
        grid=(nblk,),
        in_specs=[
            pl.BlockSpec((blk, 1), lambda i: (i, 0)),
            pl.BlockSpec((blk, c_feat), lambda i: (i, 0)),
        ],
        out_specs=[
            pl.BlockSpec((blk, c_feat), lambda i: (i, 0)),
            pl.BlockSpec((blk, 1), lambda i: (i, 0)),
        ],
        out_shape=[
            jax.ShapeDtypeStruct((n2, c_feat), jnp.float32),
            jax.ShapeDtypeStruct((n2, 1), jnp.float32),
        ],
    )(d2, x_pad)

    q = _propagate_partials(y, col3, row3, n2, ch)

    out = pl.pallas_call(
        _final_body,
        grid=(nblk,),
        in_specs=[
            pl.BlockSpec((blk, 1), lambda i: (i, 0)),
            pl.BlockSpec((blk, c_feat), lambda i: (i, 0)),
            pl.BlockSpec((blk, c_feat), lambda i: (i, 0)),
            pl.BlockSpec((blk, c_feat), lambda i: (i, 0)),
            pl.BlockSpec((c_feat, c_feat), lambda i: (0, 0)),
            pl.BlockSpec((1, c_feat), lambda i: (0, 0)),
        ],
        out_specs=pl.BlockSpec((blk, c_feat), lambda i: (i, 0)),
        out_shape=jax.ShapeDtypeStruct((n2, c_feat), jnp.float32),
    )(dv, y, q[0], q[1], W, b.reshape(1, c_feat))
    return out[:n]

# --- scband reference (transcript-rebuilt; emitter-appended) ---
"""Pipeline reference for scband-gcnconv-74603581931522 (READ-ONLY COPY).

The authoritative reference and input builder live on the scoring server;
editing this copy changes nothing except your own understanding.
"""

import jax, jax.numpy as jnp
import numpy as np


def setup_inputs(seed: int = 0) -> dict:
    key = jax.random.key(seed)
    k1, k2, k3 = jax.random.split(key, 3)
    N, E, C_in, C_out = 10000, 320000, 128, 128
    x = jax.random.normal(k1, (N, C_in), dtype=jnp.float32)
    edge_index = jax.random.randint(k2, (2, E), 0, N, dtype=jnp.int32)
    a = float(np.sqrt(6.0 / (C_in + C_out)))
    W = jax.random.uniform(k3, (C_in, C_out), dtype=jnp.float32, minval=-a, maxval=a)
    b = jnp.zeros((C_out,), dtype=jnp.float32)
    return {"x": x, "edge_index": edge_index, "W": W, "b": b}


def reference(x, edge_index, W, b):
    N = x.shape[0]
    # add self loops
    loop = jnp.arange(N, dtype=edge_index.dtype)
    ei = jnp.concatenate([edge_index, jnp.stack([loop, loop], axis=0)], axis=1)
    ew = jnp.ones((ei.shape[1],), dtype=x.dtype)
    row, col = ei[0], ei[1]
    # symmetric normalization D^{-1/2} A D^{-1/2}
    deg = jnp.zeros((N,), dtype=x.dtype).at[row].add(ew)
    deg_inv_sqrt = jnp.power(deg, -0.5)
    deg_inv_sqrt = jnp.where(jnp.isinf(deg_inv_sqrt), 0.0, deg_inv_sqrt)
    ew = deg_inv_sqrt[row] * ew * deg_inv_sqrt[col]
    # propagate: out[i] = sum_j A_norm[i, j] * x[j]  (sparse COO matmul)
    agg = jnp.zeros_like(x).at[row].add(ew[:, None] * x[col])
    # linear transform + bias
    out = agg @ W + b
    return out

if __name__ == "__main__":
    import jax
    _d = setup_inputs()
    print(jax.jit(kernel)(*tuple(_d.values())))

</pallas_src>

<mosaic_0001>
#map = affine_map<(d0, d1) -> (0, 0)>
#map1 = affine_map<(d0, d1) -> (0, 0, 0)>
module attributes {stable_mosaic.version = 14 : i64} {
  func.func @body(%arg0: i32, %arg1: i32, %arg2: memref<10112x128xf32, #tpu.memory_space<hbm>>, %arg3: memref<32x79x128xi32, #tpu.memory_space<hbm>>, %arg4: memref<2x10112x128xf32, #tpu.memory_space<hbm>>, %arg5: memref<79x128xi32, #tpu.memory_space<vmem>>, %arg6: memref<128x128xf32, #tpu.memory_space<vmem>>, %arg7: memref<10112x128xf32, #tpu.memory_space<vmem_shared>>) attributes {dimension_semantics = [#tpu.dimension_semantics<core_parallel>, #tpu.dimension_semantics<subcore_parallel>], iteration_bounds = array<i64: 2, 16>, scalar_prefetch = 0 : i64, scratch_operands = 3 : i64, tpu.core_type = #tpu.core_type<sc_vector_subcore>, window_params = [{transform_indices = #map}, {transform_indices = #map1}, {transform_indices = #map1}]} {
    %mul3A = arith.constant 16 : i32
    %mul3A_0 = arith.muli %arg0, %mul3A : i32
    %add3A = arith.addi %mul3A_0, %arg1 : i32
    %mul3A_1 = arith.constant 632 : i32
    %mul3A_2 = arith.muli %arg1, %mul3A_1 : i32
    %add3A_3 = arith.constant 0 : i32
    %add3A_4 = arith.addi %mul3A_2, %add3A_3 : i32
    "tpu.region"() ({
      %run_scoped3A = tpu.sem_alloc : memref<!tpu.dma_semaphore, #tpu.memory_space<semaphore_mem>>
      %dma_start3A = arith.constant 0 : i32
      %dma_start3A_47 = arith.constant 0 : i32
      %dma_start3A_48 = tpu.memref_slice %arg6[%dma_start3A, %dma_start3A_47] : memref<128x128xf32, #tpu.memory_space<vmem>> -> memref<128x128xf32, #tpu.memory_space<vmem>>
      %dma_start3A_49 = arith.constant 0 : i32
      %dma_start3A_50 = tpu.memref_slice %arg2[%add3A_4, %dma_start3A_49] : memref<10112x128xf32, #tpu.memory_space<hbm>> -> memref<128x128xf32, #tpu.memory_space<hbm>>
      %dma_start3A_51 = arith.constant 0 : i32
      %dma_start3A_52 = arith.constant 0 : i32
      %dma_start3A_53 = tpu.memref_slice %arg6[%dma_start3A_51, %dma_start3A_52] : memref<128x128xf32, #tpu.memory_space<vmem>> -> memref<128x128xf32, #tpu.memory_space<vmem>>
      %dma_start3A_54 = arith.constant 0 : i32
      %dma_start3A_55 = tpu.memref_slice %arg2[%add3A_4, %dma_start3A_54] : memref<10112x128xf32, #tpu.memory_space<hbm>> -> memref<128x128xf32, #tpu.memory_space<hbm>>
      tpu.enqueue_dma source(%dma_start3A_55 : memref<128x128xf32, #tpu.memory_space<hbm>>) target(%dma_start3A_53 : memref<128x128xf32, #tpu.memory_space<vmem>>) target_semaphore(%run_scoped3A : memref<!tpu.dma_semaphore, #tpu.memory_space<semaphore_mem>>)
      %dma_wait3A = arith.constant 0 : i32
      %dma_wait3A_56 = arith.constant 0 : i32
      %dma_wait3A_57 = tpu.memref_slice %arg6[%dma_wait3A, %dma_wait3A_56] : memref<128x128xf32, #tpu.memory_space<vmem>> -> memref<128x128xf32, #tpu.memory_space<vmem>>
      %dma_wait3A_58 = arith.constant 0 : i32
      %dma_wait3A_59 = tpu.memref_slice %arg2[%add3A_4, %dma_wait3A_58] : memref<10112x128xf32, #tpu.memory_space<hbm>> -> memref<128x128xf32, #tpu.memory_space<hbm>>
      %dma_wait3A_60 = arith.constant 0 : i32
      %dma_wait3A_61 = arith.constant 0 : i32
      %dma_wait3A_62 = tpu.memref_slice %arg6[%dma_wait3A_60, %dma_wait3A_61] : memref<128x128xf32, #tpu.memory_space<vmem>> -> memref<128x128xf32, #tpu.memory_space<vmem>>
      %dma_wait3A_63 = arith.constant 0 : i32
      %dma_wait3A_64 = tpu.memref_slice %arg2[%add3A_4, %dma_wait3A_63] : memref<10112x128xf32, #tpu.memory_space<hbm>> -> memref<128x128xf32, #tpu.memory_space<hbm>>
      tpu.wait_dma2 semaphore(%run_scoped3A : memref<!tpu.dma_semaphore, #tpu.memory_space<semaphore_mem>>) src(%dma_wait3A_64 : memref<128x128xf32, #tpu.memory_space<hbm>>) dst(%dma_wait3A_62 : memref<128x128xf32, #tpu.memory_space<vmem>>)
      tpu.yield
    }) : () -> ()
    "tpu.region"() ({
      %run_scoped3A = tpu.sem_alloc : memref<!tpu.dma_semaphore, #tpu.memory_space<semaphore_mem>>
      %dma_start3A = arith.constant 0 : i32
      %dma_start3A_47 = arith.constant 0 : i32
      %dma_start3A_48 = tpu.memref_slice %arg6[%dma_start3A, %dma_start3A_47] : memref<128x128xf32, #tpu.memory_space<vmem>> -> memref<128x128xf32, #tpu.memory_space<vmem>>
      %dma_start3A_49 = arith.constant 0 : i32
      %dma_start3A_50 = tpu.memref_slice %arg7[%add3A_4, %dma_start3A_49] : memref<10112x128xf32, #tpu.memory_space<vmem_shared>> -> memref<128x128xf32, #tpu.memory_space<vmem_shared>>
      %dma_start3A_51 = arith.constant 0 : i32
      %dma_start3A_52 = tpu.memref_slice %arg7[%add3A_4, %dma_start3A_51] : memref<10112x128xf32, #tpu.memory_space<vmem_shared>> -> memref<128x128xf32, #tpu.memory_space<vmem_shared>>
      %dma_start3A_53 = arith.constant 0 : i32
      %dma_start3A_54 = arith.constant 0 : i32
      %dma_start3A_55 = tpu.memref_slice %arg6[%dma_start3A_53, %dma_start3A_54] : memref<128x128xf32, #tpu.memory_space<vmem>> -> memref<128x128xf32, #tpu.memory_space<vmem>>
      tpu.enqueue_dma source(%dma_start3A_55 : memref<128x128xf32, #tpu.memory_space<vmem>>) target(%dma_start3A_52 : memref<128x128xf32, #tpu.memory_space<vmem_shared>>) target_semaphore(%run_scoped3A : memref<!tpu.dma_semaphore, #tpu.memory_space<semaphore_mem>>)
      %dma_wait3A = arith.constant 0 : i32
      %dma_wait3A_56 = arith.constant 0 : i32
      %dma_wait3A_57 = tpu.memref_slice %arg6[%dma_wait3A, %dma_wait3A_56] : memref<128x128xf32, #tpu.memory_space<vmem>> -> memref<128x128xf32, #tpu.memory_space<vmem>>
      %dma_wait3A_58 = arith.constant 0 : i32
      %dma_wait3A_59 = tpu.memref_slice %arg7[%add3A_4, %dma_wait3A_58] : memref<10112x128xf32, #tpu.memory_space<vmem_shared>> -> memref<128x128xf32, #tpu.memory_space<vmem_shared>>
      %dma_wait3A_60 = arith.constant 0 : i32
      %dma_wait3A_61 = tpu.memref_slice %arg7[%add3A_4, %dma_wait3A_60] : memref<10112x128xf32, #tpu.memory_space<vmem_shared>> -> memref<128x128xf32, #tpu.memory_space<vmem_shared>>
      %dma_wait3A_62 = arith.constant 0 : i32
      %dma_wait3A_63 = arith.constant 0 : i32
      %dma_wait3A_64 = tpu.memref_slice %arg6[%dma_wait3A_62, %dma_wait3A_63] : memref<128x128xf32, #tpu.memory_space<vmem>> -> memref<128x128xf32, #tpu.memory_space<vmem>>
      tpu.wait_dma2 semaphore(%run_scoped3A : memref<!tpu.dma_semaphore, #tpu.memory_space<semaphore_mem>>) src(%dma_wait3A_64 : memref<128x128xf32, #tpu.memory_space<vmem>>) dst(%dma_wait3A_61 : memref<128x128xf32, #tpu.memory_space<vmem_shared>>)
      tpu.yield
    }) : () -> ()
    %mul3A_5 = arith.constant 632 : i32
    %mul3A_6 = arith.muli %arg1, %mul3A_5 : i32
    %add3A_7 = arith.constant 128 : i32
    %add3A_8 = arith.addi %mul3A_6, %add3A_7 : i32
    "tpu.region"() ({
      %run_scoped3A = tpu.sem_alloc : memref<!tpu.dma_semaphore, #tpu.memory_space<semaphore_mem>>
      %dma_start3A = arith.constant 0 : i32
      %dma_start3A_47 = arith.constant 0 : i32
      %dma_start3A_48 = tpu.memref_slice %arg6[%dma_start3A, %dma_start3A_47] : memref<128x128xf32, #tpu.memory_space<vmem>> -> memref<128x128xf32, #tpu.memory_space<vmem>>
      %dma_start3A_49 = arith.constant 0 : i32
      %dma_start3A_50 = tpu.memref_slice %arg2[%add3A_8, %dma_start3A_49] : memref<10112x128xf32, #tpu.memory_space<hbm>> -> memref<128x128xf32, #tpu.memory_space<hbm>>
      %dma_start3A_51 = arith.constant 0 : i32
      %dma_start3A_52 = arith.constant 0 : i32
      %dma_start3A_53 = tpu.memref_slice %arg6[%dma_start3A_51, %dma_start3A_52] : memref<128x128xf32, #tpu.memory_space<vmem>> -> memref<128x128xf32, #tpu.memory_space<vmem>>
      %dma_start3A_54 = arith.constant 0 : i32
      %dma_start3A_55 = tpu.memref_slice %arg2[%add3A_8, %dma_start3A_54] : memref<10112x128xf32, #tpu.memory_space<hbm>> -> memref<128x128xf32, #tpu.memory_space<hbm>>
      tpu.enqueue_dma source(%dma_start3A_55 : memref<128x128xf32, #tpu.memory_space<hbm>>) target(%dma_start3A_53 : memref<128x128xf32, #tpu.memory_space<vmem>>) target_semaphore(%run_scoped3A : memref<!tpu.dma_semaphore, #tpu.memory_space<semaphore_mem>>)
      %dma_wait3A = arith.constant 0 : i32
      %dma_wait3A_56 = arith.constant 0 : i32
      %dma_wait3A_57 = tpu.memref_slice %arg6[%dma_wait3A, %dma_wait3A_56] : memref<128x128xf32, #tpu.memory_space<vmem>> -> memref<128x128xf32, #tpu.memory_space<vmem>>
      %dma_wait3A_58 = arith.constant 0 : i32
      %dma_wait3A_59 = tpu.memref_slice %arg2[%add3A_8, %dma_wait3A_58] : memref<10112x128xf32, #tpu.memory_space<hbm>> -> memref<128x128xf32, #tpu.memory_space<hbm>>
      %dma_wait3A_60 = arith.constant 0 : i32
      %dma_wait3A_61 = arith.constant 0 : i32
      %dma_wait3A_62 = tpu.memref_slice %arg6[%dma_wait3A_60, %dma_wait3A_61] : memref<128x128xf32, #tpu.memory_space<vmem>> -> memref<128x128xf32, #tpu.memory_space<vmem>>
      %dma_wait3A_63 = arith.constant 0 : i32
      %dma_wait3A_64 = tpu.memref_slice %arg2[%add3A_8, %dma_wait3A_63] : memref<10112x128xf32, #tpu.memory_space<hbm>> -> memref<128x128xf32, #tpu.memory_space<hbm>>
      tpu.wait_dma2 semaphore(%run_scoped3A : memref<!tpu.dma_semaphore, #tpu.memory_space<semaphore_mem>>) src(%dma_wait3A_64 : memref<128x128xf32, #tpu.memory_space<hbm>>) dst(%dma_wait3A_62 : memref<128x128xf32, #tpu.memory_space<vmem>>)
      tpu.yield
    }) : () -> ()
    "tpu.region"() ({
      %run_scoped3A = tpu.sem_alloc : memref<!tpu.dma_semaphore, #tpu.memory_space<semaphore_mem>>
      %dma_start3A = arith.constant 0 : i32
      %dma_start3A_47 = arith.constant 0 : i32
      %dma_start3A_48 = tpu.memref_slice %arg6[%dma_start3A, %dma_start3A_47] : memref<128x128xf32, #tpu.memory_space<vmem>> -> memref<128x128xf32, #tpu.memory_space<vmem>>
      %dma_start3A_49 = arith.constant 0 : i32
      %dma_start3A_50 = tpu.memref_slice %arg7[%add3A_8, %dma_start3A_49] : memref<10112x128xf32, #tpu.memory_space<vmem_shared>> -> memref<128x128xf32, #tpu.memory_space<vmem_shared>>
      %dma_start3A_51 = arith.constant 0 : i32
      %dma_start3A_52 = tpu.memref_slice %arg7[%add3A_8, %dma_start3A_51] : memref<10112x128xf32, #tpu.memory_space<vmem_shared>> -> memref<128x128xf32, #tpu.memory_space<vmem_shared>>
      %dma_start3A_53 = arith.constant 0 : i32
      %dma_start3A_54 = arith.constant 0 : i32
      %dma_start3A_55 = tpu.memref_slice %arg6[%dma_start3A_53, %dma_start3A_54] : memref<128x128xf32, #tpu.memory_space<vmem>> -> memref<128x128xf32, #tpu.memory_space<vmem>>
      tpu.enqueue_dma source(%dma_start3A_55 : memref<128x128xf32, #tpu.memory_space<vmem>>) target(%dma_start3A_52 : memref<128x128xf32, #tpu.memory_space<vmem_shared>>) target_semaphore(%run_scoped3A : memref<!tpu.dma_semaphore, #tpu.memory_space<semaphore_mem>>)
      %dma_wait3A = arith.constant 0 : i32
      %dma_wait3A_56 = arith.constant 0 : i32
      %dma_wait3A_57 = tpu.memref_slice %arg6[%dma_wait3A, %dma_wait3A_56] : memref<128x128xf32, #tpu.memory_space<vmem>> -> memref<128x128xf32, #tpu.memory_space<vmem>>
      %dma_wait3A_58 = arith.constant 0 : i32
      %dma_wait3A_59 = tpu.memref_slice %arg7[%add3A_8, %dma_wait3A_58] : memref<10112x128xf32, #tpu.memory_space<vmem_shared>> -> memref<128x128xf32, #tpu.memory_space<vmem_shared>>
      %dma_wait3A_60 = arith.constant 0 : i32
      %dma_wait3A_61 = tpu.memref_slice %arg7[%add3A_8, %dma_wait3A_60] : memref<10112x128xf32, #tpu.memory_space<vmem_shared>> -> memref<128x128xf32, #tpu.memory_space<vmem_shared>>
      %dma_wait3A_62 = arith.constant 0 : i32
      %dma_wait3A_63 = arith.constant 0 : i32
      %dma_wait3A_64 = tpu.memref_slice %arg6[%dma_wait3A_62, %dma_wait3A_63] : memref<128x128xf32, #tpu.memory_space<vmem>> -> memref<128x128xf32, #tpu.memory_space<vmem>>
      tpu.wait_dma2 semaphore(%run_scoped3A : memref<!tpu.dma_semaphore, #tpu.memory_space<semaphore_mem>>) src(%dma_wait3A_64 : memref<128x128xf32, #tpu.memory_space<vmem>>) dst(%dma_wait3A_61 : memref<128x128xf32, #tpu.memory_space<vmem_shared>>)
      tpu.yield
    }) : () -> ()
    %mul3A_9 = arith.constant 632 : i32
    %mul3A_10 = arith.muli %arg1, %mul3A_9 : i32
    %add3A_11 = arith.constant 256 : i32
    %add3A_12 = arith.addi %mul3A_10, %add3A_11 : i32
    "tpu.region"() ({
      %run_scoped3A = tpu.sem_alloc : memref<!tpu.dma_semaphore, #tpu.memory_space<semaphore_mem>>
      %dma_start3A = arith.constant 0 : i32
      %dma_start3A_47 = arith.constant 0 : i32
      %dma_start3A_48 = tpu.memref_slice %arg6[%dma_start3A, %dma_start3A_47] : memref<128x128xf32, #tpu.memory_space<vmem>> -> memref<128x128xf32, #tpu.memory_space<vmem>>
      %dma_start3A_49 = arith.constant 0 : i32
      %dma_start3A_50 = tpu.memref_slice %arg2[%add3A_12, %dma_start3A_49] : memref<10112x128xf32, #tpu.memory_space<hbm>> -> memref<128x128xf32, #tpu.memory_space<hbm>>
      %dma_start3A_51 = arith.constant 0 : i32
      %dma_start3A_52 = arith.constant 0 : i32
      %dma_start3A_53 = tpu.memref_slice %arg6[%dma_start3A_51, %dma_start3A_52] : memref<128x128xf32, #tpu.memory_space<vmem>> -> memref<128x128xf32, #tpu.memory_space<vmem>>
      %dma_start3A_54 = arith.constant 0 : i32
      %dma_start3A_55 = tpu.memref_slice %arg2[%add3A_12, %dma_start3A_54] : memref<10112x128xf32, #tpu.memory_space<hbm>> -> memref<128x128xf32, #tpu.memory_space<hbm>>
      tpu.enqueue_dma source(%dma_start3A_55 : memref<128x128xf32, #tpu.memory_space<hbm>>) target(%dma_start3A_53 : memref<128x128xf32, #tpu.memory_space<vmem>>) target_semaphore(%run_scoped3A : memref<!tpu.dma_semaphore, #tpu.memory_space<semaphore_mem>>)
      %dma_wait3A = arith.constant 0 : i32
      %dma_wait3A_56 = arith.constant 0 : i32
      %dma_wait3A_57 = tpu.memref_slice %arg6[%dma_wait3A, %dma_wait3A_56] : memref<128x128xf32, #tpu.memory_space<vmem>> -> memref<128x128xf32, #tpu.memory_space<vmem>>
      %dma_wait3A_58 = arith.constant 0 : i32
      %dma_wait3A_59 = tpu.memref_slice %arg2[%add3A_12, %dma_wait3A_58] : memref<10112x128xf32, #tpu.memory_space<hbm>> -> memref<128x128xf32, #tpu.memory_space<hbm>>
      %dma_wait3A_60 = arith.constant 0 : i32
      %dma_wait3A_61 = arith.constant 0 : i32
      %dma_wait3A_62 = tpu.memref_slice %arg6[%dma_wait3A_60, %dma_wait3A_61] : memref<128x128xf32, #tpu.memory_space<vmem>> -> memref<128x128xf32, #tpu.memory_space<vmem>>
      %dma_wait3A_63 = arith.constant 0 : i32
      %dma_wait3A_64 = tpu.memref_slice %arg2[%add3A_12, %dma_wait3A_63] : memref<10112x128xf32, #tpu.memory_space<hbm>> -> memref<128x128xf32, #tpu.memory_space<hbm>>
      tpu.wait_dma2 semaphore(%run_scoped3A : memref<!tpu.dma_semaphore, #tpu.memory_space<semaphore_mem>>) src(%dma_wait3A_64 : memref<128x128xf32, #tpu.memory_space<hbm>>) dst(%dma_wait3A_62 : memref<128x128xf32, #tpu.memory_space<vmem>>)
      tpu.yield
    }) : () -> ()
    "tpu.region"() ({
      %run_scoped3A = tpu.sem_alloc : memref<!tpu.dma_semaphore, #tpu.memory_space<semaphore_mem>>
      %dma_start3A = arith.constant 0 : i32
      %dma_start3A_47 = arith.constant 0 : i32
      %dma_start3A_48 = tpu.memref_slice %arg6[%dma_start3A, %dma_start3A_47] : memref<128x128xf32, #tpu.memory_space<vmem>> -> memref<128x128xf32, #tpu.memory_space<vmem>>
      %dma_start3A_49 = arith.constant 0 : i32
      %dma_start3A_50 = tpu.memref_slice %arg7[%add3A_12, %dma_start3A_49] : memref<10112x128xf32, #tpu.memory_space<vmem_shared>> -> memref<128x128xf32, #tpu.memory_space<vmem_shared>>
      %dma_start3A_51 = arith.constant 0 : i32
      %dma_start3A_52 = tpu.memref_slice %arg7[%add3A_12, %dma_start3A_51] : memref<10112x128xf32, #tpu.memory_space<vmem_shared>> -> memref<128x128xf32, #tpu.memory_space<vmem_shared>>
      %dma_start3A_53 = arith.constant 0 : i32
      %dma_start3A_54 = arith.constant 0 : i32
      %dma_start3A_55 = tpu.memref_slice %arg6[%dma_start3A_53, %dma_start3A_54] : memref<128x128xf32, #tpu.memory_space<vmem>> -> memref<128x128xf32, #tpu.memory_space<vmem>>
      tpu.enqueue_dma source(%dma_start3A_55 : memref<128x128xf32, #tpu.memory_space<vmem>>) target(%dma_start3A_52 : memref<128x128xf32, #tpu.memory_space<vmem_shared>>) target_semaphore(%run_scoped3A : memref<!tpu.dma_semaphore, #tpu.memory_space<semaphore_mem>>)
      %dma_wait3A = arith.constant 0 : i32
      %dma_wait3A_56 = arith.constant 0 : i32
      %dma_wait3A_57 = tpu.memref_slice %arg6[%dma_wait3A, %dma_wait3A_56] : memref<128x128xf32, #tpu.memory_space<vmem>> -> memref<128x128xf32, #tpu.memory_space<vmem>>
      %dma_wait3A_58 = arith.constant 0 : i32
      %dma_wait3A_59 = tpu.memref_slice %arg7[%add3A_12, %dma_wait3A_58] : memref<10112x128xf32, #tpu.memory_space<vmem_shared>> -> memref<128x128xf32, #tpu.memory_space<vmem_shared>>
      %dma_wait3A_60 = arith.constant 0 : i32
      %dma_wait3A_61 = tpu.memref_slice %arg7[%add3A_12, %dma_wait3A_60] : memref<10112x128xf32, #tpu.memory_space<vmem_shared>> -> memref<128x128xf32, #tpu.memory_space<vmem_shared>>
      %dma_wait3A_62 = arith.constant 0 : i32
      %dma_wait3A_63 = arith.constant 0 : i32
      %dma_wait3A_64 = tpu.memref_slice %arg6[%dma_wait3A_62, %dma_wait3A_63] : memref<128x128xf32, #tpu.memory_space<vmem>> -> memref<128x128xf32, #tpu.memory_space<vmem>>
      tpu.wait_dma2 semaphore(%run_scoped3A : memref<!tpu.dma_semaphore, #tpu.memory_space<semaphore_mem>>) src(%dma_wait3A_64 : memref<128x128xf32, #tpu.memory_space<vmem>>) dst(%dma_wait3A_61 : memref<128x128xf32, #tpu.memory_space<vmem_shared>>)
      tpu.yield
    }) : () -> ()
    %mul3A_13 = arith.constant 632 : i32
    %mul3A_14 = arith.muli %arg1, %mul3A_13 : i32
    %add3A_15 = arith.constant 384 : i32
    %add3A_16 = arith.addi %mul3A_14, %add3A_15 : i32
    "tpu.region"() ({
      %run_scoped3A = tpu.sem_alloc : memref<!tpu.dma_semaphore, #tpu.memory_space<semaphore_mem>>
      %dma_start3A = arith.constant 0 : i32
      %dma_start3A_47 = arith.constant 0 : i32
      %dma_start3A_48 = tpu.memref_slice %arg6[%dma_start3A, %dma_start3A_47] : memref<128x128xf32, #tpu.memory_space<vmem>> -> memref<128x128xf32, #tpu.memory_space<vmem>>
      %dma_start3A_49 = arith.constant 0 : i32
      %dma_start3A_50 = tpu.memref_slice %arg2[%add3A_16, %dma_start3A_49] : memref<10112x128xf32, #tpu.memory_space<hbm>> -> memref<128x128xf32, #tpu.memory_space<hbm>>
      %dma_start3A_51 = arith.constant 0 : i32
      %dma_start3A_52 = arith.constant 0 : i32
      %dma_start3A_53 = tpu.memref_slice %arg6[%dma_start3A_51, %dma_start3A_52] : memref<128x128xf32, #tpu.memory_space<vmem>> -> memref<128x128xf32, #tpu.memory_space<vmem>>
      %dma_start3A_54 = arith.constant 0 : i32
      %dma_start3A_55 = tpu.memref_slice %arg2[%add3A_16, %dma_start3A_54] : memref<10112x128xf32, #tpu.memory_space<hbm>> -> memref<128x128xf32, #tpu.memory_space<hbm>>
      tpu.enqueue_dma source(%dma_start3A_55 : memref<128x128xf32, #tpu.memory_space<hbm>>) target(%dma_start3A_53 : memref<128x128xf32, #tpu.memory_space<vmem>>) target_semaphore(%run_scoped3A : memref<!tpu.dma_semaphore, #tpu.memory_space<semaphore_mem>>)
      %dma_wait3A = arith.constant 0 : i32
      %dma_wait3A_56 = arith.constant 0 : i32
      %dma_wait3A_57 = tpu.memref_slice %arg6[%dma_wait3A, %dma_wait3A_56] : memref<128x128xf32, #tpu.memory_space<vmem>> -> memref<128x128xf32, #tpu.memory_space<vmem>>
      %dma_wait3A_58 = arith.constant 0 : i32
      %dma_wait3A_59 = tpu.memref_slice %arg2[%add3A_16, %dma_wait3A_58] : memref<10112x128xf32, #tpu.memory_space<hbm>> -> memref<128x128xf32, #tpu.memory_space<hbm>>
      %dma_wait3A_60 = arith.constant 0 : i32
      %dma_wait3A_61 = arith.constant 0 : i32
      %dma_wait3A_62 = tpu.memref_slice %arg6[%dma_wait3A_60, %dma_wait3A_61] : memref<128x128xf32, #tpu.memory_space<vmem>> -> memref<128x128xf32, #tpu.memory_space<vmem>>
      %dma_wait3A_63 = arith.constant 0 : i32
      %dma_wait3A_64 = tpu.memref_slice %arg2[%add3A_16, %dma_wait3A_63] : memref<10112x128xf32, #tpu.memory_space<hbm>> -> memref<128x128xf32, #tpu.memory_space<hbm>>
      tpu.wait_dma2 semaphore(%run_scoped3A : memref<!tpu.dma_semaphore, #tpu.memory_space<semaphore_mem>>) src(%dma_wait3A_64 : memref<128x128xf32, #tpu.memory_space<hbm>>) dst(%dma_wait3A_62 : memref<128x128xf32, #tpu.memory_space<vmem>>)
      tpu.yield
    }) : () -> ()
    "tpu.region"() ({
      %run_scoped3A = tpu.sem_alloc : memref<!tpu.dma_semaphore, #tpu.memory_space<semaphore_mem>>
      %dma_start3A = arith.constant 0 : i32
      %dma_start3A_47 = arith.constant 0 : i32
      %dma_start3A_48 = tpu.memref_slice %arg6[%dma_start3A, %dma_start3A_47] : memref<128x128xf32, #tpu.memory_space<vmem>> -> memref<128x128xf32, #tpu.memory_space<vmem>>
      %dma_start3A_49 = arith.constant 0 : i32
      %dma_start3A_50 = tpu.memref_slice %arg7[%add3A_16, %dma_start3A_49] : memref<10112x128xf32, #tpu.memory_space<vmem_shared>> -> memref<128x128xf32, #tpu.memory_space<vmem_shared>>
      %dma_start3A_51 = arith.constant 0 : i32
      %dma_start3A_52 = tpu.memref_slice %arg7[%add3A_16, %dma_start3A_51] : memref<10112x128xf32, #tpu.memory_space<vmem_shared>> -> memref<128x128xf32, #tpu.memory_space<vmem_shared>>
      %dma_start3A_53 = arith.constant 0 : i32
      %dma_start3A_54 = arith.constant 0 : i32
      %dma_start3A_55 = tpu.memref_slice %arg6[%dma_start3A_53, %dma_start3A_54] : memref<128x128xf32, #tpu.memory_space<vmem>> -> memref<128x128xf32, #tpu.memory_space<vmem>>
      tpu.enqueue_dma source(%dma_start3A_55 : memref<128x128xf32, #tpu.memory_space<vmem>>) target(%dma_start3A_52 : memref<128x128xf32, #tpu.memory_space<vmem_shared>>) target_semaphore(%run_scoped3A : memref<!tpu.dma_semaphore, #tpu.memory_space<semaphore_mem>>)
      %dma_wait3A = arith.constant 0 : i32
      %dma_wait3A_56 = arith.constant 0 : i32
      %dma_wait3A_57 = tpu.memref_slice %arg6[%dma_wait3A, %dma_wait3A_56] : memref<128x128xf32, #tpu.memory_space<vmem>> -> memref<128x128xf32, #tpu.memory_space<vmem>>
      %dma_wait3A_58 = arith.constant 0 : i32
      %dma_wait3A_59 = tpu.memref_slice %arg7[%add3A_16, %dma_wait3A_58] : memref<10112x128xf32, #tpu.memory_space<vmem_shared>> -> memref<128x128xf32, #tpu.memory_space<vmem_shared>>
      %dma_wait3A_60 = arith.constant 0 : i32
      %dma_wait3A_61 = tpu.memref_slice %arg7[%add3A_16, %dma_wait3A_60] : memref<10112x128xf32, #tpu.memory_space<vmem_shared>> -> memref<128x128xf32, #tpu.memory_space<vmem_shared>>
      %dma_wait3A_62 = arith.constant 0 : i32
      %dma_wait3A_63 = arith.constant 0 : i32
      %dma_wait3A_64 = tpu.memref_slice %arg6[%dma_wait3A_62, %dma_wait3A_63] : memref<128x128xf32, #tpu.memory_space<vmem>> -> memref<128x128xf32, #tpu.memory_space<vmem>>
      tpu.wait_dma2 semaphore(%run_scoped3A : memref<!tpu.dma_semaphore, #tpu.memory_space<semaphore_mem>>) src(%dma_wait3A_64 : memref<128x128xf32, #tpu.memory_space<vmem>>) dst(%dma_wait3A_61 : memref<128x128xf32, #tpu.memory_space<vmem_shared>>)
      tpu.yield
    }) : () -> ()
    %mul3A_17 = arith.constant 632 : i32
    %mul3A_18 = arith.muli %arg1, %mul3A_17 : i32
    %add3A_19 = arith.constant 512 : i32
    %add3A_20 = arith.addi %mul3A_18, %add3A_19 : i32
    "tpu.region"() ({
      %run_scoped3A = tpu.sem_alloc : memref<!tpu.dma_semaphore, #tpu.memory_space<semaphore_mem>>
      %dma_start3A = arith.constant 0 : i32
      %dma_start3A_47 = arith.constant 0 : i32
      %dma_start3A_48 = tpu.memref_slice %arg6[%dma_start3A, %dma_start3A_47] : memref<128x128xf32, #tpu.memory_space<vmem>> -> memref<120x128xf32, #tpu.memory_space<vmem>>
      %dma_start3A_49 = arith.constant 0 : i32
      %dma_start3A_50 = tpu.memref_slice %arg2[%add3A_20, %dma_start3A_49] : memref<10112x128xf32, #tpu.memory_space<hbm>> -> memref<120x128xf32, #tpu.memory_space<hbm>>
      %dma_start3A_51 = arith.constant 0 : i32
      %dma_start3A_52 = arith.constant 0 : i32
      %dma_start3A_53 = tpu.memref_slice %arg6[%dma_start3A_51, %dma_start3A_52] : memref<128x128xf32, #tpu.memory_space<vmem>> -> memref<120x128xf32, #tpu.memory_space<vmem>>
      %dma_start3A_54 = arith.constant 0 : i32
      %dma_start3A_55 = tpu.memref_slice %arg2[%add3A_20, %dma_start3A_54] : memref<10112x128xf32, #tpu.memory_space<hbm>> -> memref<120x128xf32, #tpu.memory_space<hbm>>
      tpu.enqueue_dma source(%dma_start3A_55 : memref<120x128xf32, #tpu.memory_space<hbm>>) target(%dma_start3A_53 : memref<120x128xf32, #tpu.memory_space<vmem>>) target_semaphore(%run_scoped3A : memref<!tpu.dma_semaphore, #tpu.memory_space<semaphore_mem>>)
      %dma_wait3A = arith.constant 0 : i32
      %dma_wait3A_56 = arith.constant 0 : i32
      %dma_wait3A_57 = tpu.memref_slice %arg6[%dma_wait3A, %dma_wait3A_56] : memref<128x128xf32, #tpu.memory_space<vmem>> -> memref<120x128xf32, #tpu.memory_space<vmem>>
      %dma_wait3A_58 = arith.constant 0 : i32
      %dma_wait3A_59 = tpu.memref_slice %arg2[%add3A_20, %dma_wait3A_58] : memref<10112x128xf32, #tpu.memory_space<hbm>> -> memref<120x128xf32, #tpu.memory_space<hbm>>
      %dma_wait3A_60 = arith.constant 0 : i32
      %dma_wait3A_61 = arith.constant 0 : i32
      %dma_wait3A_62 = tpu.memref_slice %arg6[%dma_wait3A_60, %dma_wait3A_61] : memref<128x128xf32, #tpu.memory_space<vmem>> -> memref<120x128xf32, #tpu.memory_space<vmem>>
      %dma_wait3A_63 = arith.constant 0 : i32
      %dma_wait3A_64 = tpu.memref_slice %arg2[%add3A_20, %dma_wait3A_63] : memref<10112x128xf32, #tpu.memory_space<hbm>> -> memref<120x128xf32, #tpu.memory_space<hbm>>
      tpu.wait_dma2 semaphore(%run_scoped3A : memref<!tpu.dma_semaphore, #tpu.memory_space<semaphore_mem>>) src(%dma_wait3A_64 : memref<120x128xf32, #tpu.memory_space<hbm>>) dst(%dma_wait3A_62 : memref<120x128xf32, #tpu.memory_space<vmem>>)
      tpu.yield
    }) : () -> ()
    "tpu.region"() ({
      %run_scoped3A = tpu.sem_alloc : memref<!tpu.dma_semaphore, #tpu.memory_space<semaphore_mem>>
      %dma_start3A = arith.constant 0 : i32
      %dma_start3A_47 = arith.constant 0 : i32
      %dma_start3A_48 = tpu.memref_slice %arg6[%dma_start3A, %dma_start3A_47] : memref<128x128xf32, #tpu.memory_space<vmem>> -> memref<120x128xf32, #tpu.memory_space<vmem>>
      %dma_start3A_49 = arith.constant 0 : i32
      %dma_start3A_50 = tpu.memref_slice %arg7[%add3A_20, %dma_start3A_49] : memref<10112x128xf32, #tpu.memory_space<vmem_shared>> -> memref<120x128xf32, #tpu.memory_space<vmem_shared>>
      %dma_start3A_51 = arith.constant 0 : i32
      %dma_start3A_52 = tpu.memref_slice %arg7[%add3A_20, %dma_start3A_51] : memref<10112x128xf32, #tpu.memory_space<vmem_shared>> -> memref<120x128xf32, #tpu.memory_space<vmem_shared>>
      %dma_start3A_53 = arith.constant 0 : i32
      %dma_start3A_54 = arith.constant 0 : i32
      %dma_start3A_55 = tpu.memref_slice %arg6[%dma_start3A_53, %dma_start3A_54] : memref<128x128xf32, #tpu.memory_space<vmem>> -> memref<120x128xf32, #tpu.memory_space<vmem>>
      tpu.enqueue_dma source(%dma_start3A_55 : memref<120x128xf32, #tpu.memory_space<vmem>>) target(%dma_start3A_52 : memref<120x128xf32, #tpu.memory_space<vmem_shared>>) target_semaphore(%run_scoped3A : memref<!tpu.dma_semaphore, #tpu.memory_space<semaphore_mem>>)
      %dma_wait3A = arith.constant 0 : i32
      %dma_wait3A_56 = arith.constant 0 : i32
      %dma_wait3A_57 = tpu.memref_slice %arg6[%dma_wait3A, %dma_wait3A_56] : memref<128x128xf32, #tpu.memory_space<vmem>> -> memref<120x128xf32, #tpu.memory_space<vmem>>
      %dma_wait3A_58 = arith.constant 0 : i32
      %dma_wait3A_59 = tpu.memref_slice %arg7[%add3A_20, %dma_wait3A_58] : memref<10112x128xf32, #tpu.memory_space<vmem_shared>> -> memref<120x128xf32, #tpu.memory_space<vmem_shared>>
      %dma_wait3A_60 = arith.constant 0 : i32
      %dma_wait3A_61 = tpu.memref_slice %arg7[%add3A_20, %dma_wait3A_60] : memref<10112x128xf32, #tpu.memory_space<vmem_shared>> -> memref<120x128xf32, #tpu.memory_space<vmem_shared>>
      %dma_wait3A_62 = arith.constant 0 : i32
      %dma_wait3A_63 = arith.constant 0 : i32
      %dma_wait3A_64 = tpu.memref_slice %arg6[%dma_wait3A_62, %dma_wait3A_63] : memref<128x128xf32, #tpu.memory_space<vmem>> -> memref<120x128xf32, #tpu.memory_space<vmem>>
      tpu.wait_dma2 semaphore(%run_scoped3A : memref<!tpu.dma_semaphore, #tpu.memory_space<semaphore_mem>>) src(%dma_wait3A_64 : memref<120x128xf32, #tpu.memory_space<vmem>>) dst(%dma_wait3A_61 : memref<120x128xf32, #tpu.memory_space<vmem_shared>>)
      tpu.yield
    }) : () -> ()
    "tpu.region"() ({
      %run_scoped3A = tpu.sem_alloc : memref<!tpu.dma_semaphore, #tpu.memory_space<semaphore_mem>>
      %dma_start3A = arith.constant 0 : i32
      %dma_start3A_47 = arith.constant 0 : i32
      %dma_start3A_48 = tpu.memref_slice %arg2[%dma_start3A, %dma_start3A_47] : memref<10112x128xf32, #tpu.memory_space<hbm>> -> memref<128x128xf32, #tpu.memory_space<hbm>>
      %dma_start3A_49 = arith.constant 0 : i32
      %dma_start3A_50 = arith.constant 0 : i32
      %dma_start3A_51 = tpu.memref_slice %arg2[%dma_start3A_49, %dma_start3A_50] : memref<10112x128xf32, #tpu.memory_space<hbm>> -> memref<128x128xf32, #tpu.memory_space<hbm>>
      tpu.enqueue_dma source(%dma_start3A_51 : memref<128x128xf32, #tpu.memory_space<hbm>>) target(%arg6 : memref<128x128xf32, #tpu.memory_space<vmem>>) target_semaphore(%run_scoped3A : memref<!tpu.dma_semaphore, #tpu.memory_space<semaphore_mem>>)
      %dma_wait3A = arith.constant 0 : i32
      %dma_wait3A_52 = arith.constant 0 : i32
      %dma_wait3A_53 = tpu.memref_slice %arg2[%dma_wait3A, %dma_wait3A_52] : memref<10112x128xf32, #tpu.memory_space<hbm>> -> memref<128x128xf32, #tpu.memory_space<hbm>>
      %dma_wait3A_54 = arith.constant 0 : i32
      %dma_wait3A_55 = arith.constant 0 : i32
      %dma_wait3A_56 = tpu.memref_slice %arg2[%dma_wait3A_54, %dma_wait3A_55] : memref<10112x128xf32, #tpu.memory_space<hbm>> -> memref<128x128xf32, #tpu.memory_space<hbm>>
      tpu.wait_dma2 semaphore(%run_scoped3A : memref<!tpu.dma_semaphore, #tpu.memory_space<semaphore_mem>>) src(%dma_wait3A_56 : memref<128x128xf32, #tpu.memory_space<hbm>>) dst(%arg6 : memref<128x128xf32, #tpu.memory_space<vmem>>)
      tpu.yield
    }) : () -> ()
    "tpu.region"() ({
      %run_scoped3A = tpu.sem_alloc : memref<!tpu.dma_semaphore, #tpu.memory_space<semaphore_mem>>
      %dma_start3A = arith.constant 0 : i32
      %dma_start3A_47 = arith.constant 0 : i32
      %dma_start3A_48 = tpu.memref_slice %arg3[%add3A, %dma_start3A, %dma_start3A_47] : memref<32x79x128xi32, #tpu.memory_space<hbm>> -> memref<1x79x128xi32, #tpu.memory_space<hbm>>
      %dma_start3A_49 = tpu.memref_squeeze %dma_start3A_48 : memref<1x79x128xi32, #tpu.memory_space<hbm>> -> memref<79x128xi32, #tpu.memory_space<hbm>>
      %dma_start3A_50 = arith.constant 0 : i32
      %dma_start3A_51 = arith.constant 0 : i32
      %dma_start3A_52 = tpu.memref_slice %arg3[%add3A, %dma_start3A_50, %dma_start3A_51] : memref<32x79x128xi32, #tpu.memory_space<hbm>> -> memref<1x79x128xi32, #tpu.memory_space<hbm>>
      %dma_start3A_53 = tpu.memref_squeeze %dma_start3A_52 : memref<1x79x128xi32, #tpu.memory_space<hbm>> -> memref<79x128xi32, #tpu.memory_space<hbm>>
      tpu.enqueue_dma source(%dma_start3A_53 : memref<79x128xi32, #tpu.memory_space<hbm>>) target(%arg5 : memref<79x128xi32, #tpu.memory_space<vmem>>) target_semaphore(%run_scoped3A : memref<!tpu.dma_semaphore, #tpu.memory_space<semaphore_mem>>)
      %dma_wait3A = arith.constant 0 : i32
      %dma_wait3A_54 = arith.constant 0 : i32
      %dma_wait3A_55 = tpu.memref_slice %arg3[%add3A, %dma_wait3A, %dma_wait3A_54] : memref<32x79x128xi32, #tpu.memory_space<hbm>> -> memref<1x79x128xi32, #tpu.memory_space<hbm>>
      %dma_wait3A_56 = tpu.memref_squeeze %dma_wait3A_55 : memref<1x79x128xi32, #tpu.memory_space<hbm>> -> memref<79x128xi32, #tpu.memory_space<hbm>>
      %dma_wait3A_57 = arith.constant 0 : i32
      %dma_wait3A_58 = arith.constant 0 : i32
      %dma_wait3A_59 = tpu.memref_slice %arg3[%add3A, %dma_wait3A_57, %dma_wait3A_58] : memref<32x79x128xi32, #tpu.memory_space<hbm>> -> memref<1x79x128xi32, #tpu.memory_space<hbm>>
      %dma_wait3A_60 = tpu.memref_squeeze %dma_wait3A_59 : memref<1x79x128xi32, #tpu.memory_space<hbm>> -> memref<79x128xi32, #tpu.memory_space<hbm>>
      tpu.wait_dma2 semaphore(%run_scoped3A : memref<!tpu.dma_semaphore, #tpu.memory_space<semaphore_mem>>) src(%dma_wait3A_60 : memref<79x128xi32, #tpu.memory_space<hbm>>) dst(%arg5 : memref<79x128xi32, #tpu.memory_space<vmem>>)
      tpu.yield
    }) : () -> ()
    %barrier3A = arith.constant 0 : index
    tpu.barrier barrier_id(%barrier3A)
    %scan3A = arith.constant 0 : i32
    %scan3A_21 = arith.constant 0 : i32
    %scan3A_22 = arith.constant 79 : i32
    %scan3A_23 = arith.addi %scan3A_21, %scan3A_22 : i32
    %scan3A_24 = arith.constant 1 : i32
    scf.for %scan3A_47 = %scan3A_21 to %scan3A_23 step %scan3A_24  : i32 {
      "tpu.region"() ({
        %run_scoped3A = tpu.sem_alloc : memref<!tpu.dma_semaphore, #tpu.memory_space<semaphore_mem>>
        %dma_start3A = arith.constant 0 : i32
        %dma_start3A_48 = tpu.memref_slice %arg5[%scan3A_47, %dma_start3A] : memref<79x128xi32, #tpu.memory_space<vmem>> -> memref<1x128xi32, #tpu.memory_space<vmem>>
        %dma_start3A_49 = tpu.memref_squeeze %dma_start3A_48 : memref<1x128xi32, #tpu.memory_space<vmem>> -> memref<128xi32, #tpu.memory_space<vmem>>
        %dma_start3A_50 = arith.constant 0 : i32
        %dma_start3A_51 = arith.constant 0 : i32
        %dma_start3A_52 = tpu.memref_slice %arg7[%dma_start3A_50, %dma_start3A_51] : memref<10112x128xf32, #tpu.memory_space<vmem_shared>> -> memref<10112x128xf32, #tpu.memory_space<vmem_shared>>
        tpu.enqueue_indirect_dma source(%arg6 : memref<128x128xf32, #tpu.memory_space<vmem>>) target(%dma_start3A_52 : memref<10112x128xf32, #tpu.memory_space<vmem_shared>>) offsets(%dma_start3A_49 : memref<128xi32, #tpu.memory_space<vmem>>) semaphore(%run_scoped3A : memref<!tpu.dma_semaphore, #tpu.memory_space<semaphore_mem>>) {add = true}
        %dma_wait3A = arith.constant 0 : i32
        %dma_wait3A_53 = tpu.memref_slice %arg5[%scan3A_47, %dma_wait3A] : memref<79x128xi32, #tpu.memory_space<vmem>> -> memref<1x128xi32, #tpu.memory_space<vmem>>
        %dma_wait3A_54 = tpu.memref_squeeze %dma_wait3A_53 : memref<1x128xi32, #tpu.memory_space<vmem>> -> memref<128xi32, #tpu.memory_space<vmem>>
        %dma_wait3A_55 = arith.constant 0 : i32
        %dma_wait3A_56 = arith.constant 0 : i32
        %dma_wait3A_57 = tpu.memref_slice %arg7[%dma_wait3A_55, %dma_wait3A_56] : memref<10112x128xf32, #tpu.memory_space<vmem_shared>> -> memref<10112x128xf32, #tpu.memory_space<vmem_shared>>
        tpu.wait_indirect_dma semaphore(%run_scoped3A : memref<!tpu.dma_semaphore, #tpu.memory_space<semaphore_mem>>) src(%arg6 : memref<128x128xf32, #tpu.memory_space<vmem>>) dst(%dma_wait3A_57 : memref<10112x128xf32, #tpu.memory_space<vmem_shared>>)
        tpu.yield
      }) : () -> ()
    }
    %scan3A_25 = arith.constant 79 : i32
    %barrier3A_26 = arith.constant 0 : index
    tpu.barrier barrier_id(%barrier3A_26)
    %mul3A_27 = arith.constant 632 : i32
    %mul3A_28 = arith.muli %arg1, %mul3A_27 : i32
    %add3A_29 = arith.constant 0 : i32
    %add3A_30 = arith.addi %mul3A_28, %add3A_29 : i32
    "tpu.region"() ({
      %run_scoped3A = tpu.sem_alloc : memref<!tpu.dma_semaphore, #tpu.memory_space<semaphore_mem>>
      %dma_start3A = arith.constant 0 : i32
      %dma_start3A_47 = arith.constant 0 : i32
      %dma_start3A_48 = tpu.memref_slice %arg6[%dma_start3A, %dma_start3A_47] : memref<128x128xf32, #tpu.memory_space<vmem>> -> memref<128x128xf32, #tpu.memory_space<vmem>>
      %dma_start3A_49 = arith.constant 0 : i32
      %dma_start3A_50 = tpu.memref_slice %arg7[%add3A_30, %dma_start3A_49] : memref<10112x128xf32, #tpu.memory_space<vmem_shared>> -> memref<128x128xf32, #tpu.memory_space<vmem_shared>>
      %dma_start3A_51 = arith.constant 0 : i32
      %dma_start3A_52 = arith.constant 0 : i32
      %dma_start3A_53 = tpu.memref_slice %arg6[%dma_start3A_51, %dma_start3A_52] : memref<128x128xf32, #tpu.memory_space<vmem>> -> memref<128x128xf32, #tpu.memory_space<vmem>>
      %dma_start3A_54 = arith.constant 0 : i32
      %dma_start3A_55 = tpu.memref_slice %arg7[%add3A_30, %dma_start3A_54] : memref<10112x128xf32, #tpu.memory_space<vmem_shared>> -> memref<128x128xf32, #tpu.memory_space<vmem_shared>>
      tpu.enqueue_dma source(%dma_start3A_55 : memref<128x128xf32, #tpu.memory_space<vmem_shared>>) target(%dma_start3A_53 : memref<128x128xf32, #tpu.memory_space<vmem>>) target_semaphore(%run_scoped3A : memref<!tpu.dma_semaphore, #tpu.memory_space<semaphore_mem>>)
      %dma_wait3A = arith.constant 0 : i32
      %dma_wait3A_56 = arith.constant 0 : i32
      %dma_wait3A_57 = tpu.memref_slice %arg6[%dma_wait3A, %dma_wait3A_56] : memref<128x128xf32, #tpu.memory_space<vmem>> -> memref<128x128xf32, #tpu.memory_space<vmem>>
      %dma_wait3A_58 = arith.constant 0 : i32
      %dma_wait3A_59 = tpu.memref_slice %arg7[%add3A_30, %dma_wait3A_58] : memref<10112x128xf32, #tpu.memory_space<vmem_shared>> -> memref<128x128xf32, #tpu.memory_space<vmem_shared>>
      %dma_wait3A_60 = arith.constant 0 : i32
      %dma_wait3A_61 = arith.constant 0 : i32
      %dma_wait3A_62 = tpu.memref_slice %arg6[%dma_wait3A_60, %dma_wait3A_61] : memref<128x128xf32, #tpu.memory_space<vmem>> -> memref<128x128xf32, #tpu.memory_space<vmem>>
      %dma_wait3A_63 = arith.constant 0 : i32
      %dma_wait3A_64 = tpu.memref_slice %arg7[%add3A_30, %dma_wait3A_63] : memref<10112x128xf32, #tpu.memory_space<vmem_shared>> -> memref<128x128xf32, #tpu.memory_space<vmem_shared>>
      tpu.wait_dma2 semaphore(%run_scoped3A : memref<!tpu.dma_semaphore, #tpu.memory_space<semaphore_mem>>) src(%dma_wait3A_64 : memref<128x128xf32, #tpu.memory_space<vmem_shared>>) dst(%dma_wait3A_62 : memref<128x128xf32, #tpu.memory_space<vmem>>)
      tpu.yield
    }) : () -> ()
    "tpu.region"() ({
      %run_scoped3A = tpu.sem_alloc : memref<!tpu.dma_semaphore, #tpu.memory_space<semaphore_mem>>
      %dma_start3A = arith.constant 0 : i32
      %dma_start3A_47 = arith.constant 0 : i32
      %dma_start3A_48 = tpu.memref_slice %arg6[%dma_start3A, %dma_start3A_47] : memref<128x128xf32, #tpu.memory_space<vmem>> -> memref<128x128xf32, #tpu.memory_space<vmem>>
      %dma_start3A_49 = arith.constant 0 : i32
      %dma_start3A_50 = tpu.memref_slice %arg4[%arg0, %add3A_30, %dma_start3A_49] : memref<2x10112x128xf32, #tpu.memory_space<hbm>> -> memref<1x128x128xf32, #tpu.memory_space<hbm>>
      %dma_start3A_51 = tpu.memref_squeeze %dma_start3A_50 : memref<1x128x128xf32, #tpu.memory_space<hbm>> -> memref<128x128xf32, #tpu.memory_space<hbm>>
      %dma_start3A_52 = arith.constant 0 : i32
      %dma_start3A_53 = tpu.memref_slice %arg4[%arg0, %add3A_30, %dma_start3A_52] : memref<2x10112x128xf32, #tpu.memory_space<hbm>> -> memref<1x128x128xf32, #tpu.memory_space<hbm>>
      %dma_start3A_54 = tpu.memref_squeeze %dma_start3A_53 : memref<1x128x128xf32, #tpu.memory_space<hbm>> -> memref<128x128xf32, #tpu.memory_space<hbm>>
      %dma_start3A_55 = arith.constant 0 : i32
      %dma_start3A_56 = arith.constant 0 : i32
      %dma_start3A_57 = tpu.memref_slice %arg6[%dma_start3A_55, %dma_start3A_56] : memref<128x128xf32, #tpu.memory_space<vmem>> -> memref<128x128xf32, #tpu.memory_space<vmem>>
      tpu.enqueue_dma source(%dma_start3A_57 : memref<128x128xf32, #tpu.memory_space<vmem>>) target(%dma_start3A_54 : memref<128x128xf32, #tpu.memory_space<hbm>>) target_semaphore(%run_scoped3A : memref<!tpu.dma_semaphore, #tpu.memory_space<semaphore_mem>>)
      %dma_wait3A = arith.constant 0 : i32
      %dma_wait3A_58 = arith.constant 0 : i32
      %dma_wait3A_59 = tpu.memref_slice %arg6[%dma_wait3A, %dma_wait3A_58] : memref<128x128xf32, #tpu.memory_space<vmem>> -> memref<128x128xf32, #tpu.memory_space<vmem>>
      %dma_wait3A_60 = arith.constant 0 : i32
      %dma_wait3A_61 = tpu.memref_slice %arg4[%arg0, %add3A_30, %dma_wait3A_60] : memref<2x10112x128xf32, #tpu.memory_space<hbm>> -> memref<1x128x128xf32, #tpu.memory_space<hbm>>
      %dma_wait3A_62 = tpu.memref_squeeze %dma_wait3A_61 : memref<1x128x128xf32, #tpu.memory_space<hbm>> -> memref<128x128xf32, #tpu.memory_space<hbm>>
      %dma_wait3A_63 = arith.constant 0 : i32
      %dma_wait3A_64 = tpu.memref_slice %arg4[%arg0, %add3A_30, %dma_wait3A_63] : memref<2x10112x128xf32, #tpu.memory_space<hbm>> -> memref<1x128x128xf32, #tpu.memory_space<hbm>>
      %dma_wait3A_65 = tpu.memref_squeeze %dma_wait3A_64 : memref<1x128x128xf32, #tpu.memory_space<hbm>> -> memref<128x128xf32, #tpu.memory_space<hbm>>
      %dma_wait3A_66 = arith.constant 0 : i32
      %dma_wait3A_67 = arith.constant 0 : i32
      %dma_wait3A_68 = tpu.memref_slice %arg6[%dma_wait3A_66, %dma_wait3A_67] : memref<128x128xf32, #tpu.memory_space<vmem>> -> memref<128x128xf32, #tpu.memory_space<vmem>>
      tpu.wait_dma2 semaphore(%run_scoped3A : memref<!tpu.dma_semaphore, #tpu.memory_space<semaphore_mem>>) src(%dma_wait3A_68 : memref<128x128xf32, #tpu.memory_space<vmem>>) dst(%dma_wait3A_65 : memref<128x128xf32, #tpu.memory_space<hbm>>)
      tpu.yield
    }) : () -> ()
    %mul3A_31 = arith.constant 632 : i32
    %mul3A_32 = arith.muli %arg1, %mul3A_31 : i32
    %add3A_33 = arith.constant 128 : i32
    %add3A_34 = arith.addi %mul3A_32, %add3A_33 : i32
    "tpu.region"() ({
      %run_scoped3A = tpu.sem_alloc : memref<!tpu.dma_semaphore, #tpu.memory_space<semaphore_mem>>
      %dma_start3A = arith.constant 0 : i32
      %dma_start3A_47 = arith.constant 0 : i32
      %dma_start3A_48 = tpu.memref_slice %arg6[%dma_start3A, %dma_start3A_47] : memref<128x128xf32, #tpu.memory_space<vmem>> -> memref<128x128xf32, #tpu.memory_space<vmem>>
      %dma_start3A_49 = arith.constant 0 : i32
      %dma_start3A_50 = tpu.memref_slice %arg7[%add3A_34, %dma_start3A_49] : memref<10112x128xf32, #tpu.memory_space<vmem_shared>> -> memref<128x128xf32, #tpu.memory_space<vmem_shared>>
      %dma_start3A_51 = arith.constant 0 : i32
      %dma_start3A_52 = arith.constant 0 : i32
      %dma_start3A_53 = tpu.memref_slice %arg6[%dma_start3A_51, %dma_start3A_52] : memref<128x128xf32, #tpu.memory_space<vmem>> -> memref<128x128xf32, #tpu.memory_space<vmem>>
      %dma_start3A_54 = arith.constant 0 : i32
      %dma_start3A_55 = tpu.memref_slice %arg7[%add3A_34, %dma_start3A_54] : memref<10112x128xf32, #tpu.memory_space<vmem_shared>> -> memref<128x128xf32, #tpu.memory_space<vmem_shared>>
      tpu.enqueue_dma source(%dma_start3A_55 : memref<128x128xf32, #tpu.memory_space<vmem_shared>>) target(%dma_start3A_53 : memref<128x128xf32, #tpu.memory_space<vmem>>) target_semaphore(%run_scoped3A : memref<!tpu.dma_semaphore, #tpu.memory_space<semaphore_mem>>)
      %dma_wait3A = arith.constant 0 : i32
      %dma_wait3A_56 = arith.constant 0 : i32
      %dma_wait3A_57 = tpu.memref_slice %arg6[%dma_wait3A, %dma_wait3A_56] : memref<128x128xf32, #tpu.memory_space<vmem>> -> memref<128x128xf32, #tpu.memory_space<vmem>>
      %dma_wait3A_58 = arith.constant 0 : i32
      %dma_wait3A_59 = tpu.memref_slice %arg7[%add3A_34, %dma_wait3A_58] : memref<10112x128xf32, #tpu.memory_space<vmem_shared>> -> memref<128x128xf32, #tpu.memory_space<vmem_shared>>
      %dma_wait3A_60 = arith.constant 0 : i32
      %dma_wait3A_61 = arith.constant 0 : i32
      %dma_wait3A_62 = tpu.memref_slice %arg6[%dma_wait3A_60, %dma_wait3A_61] : memref<128x128xf32, #tpu.memory_space<vmem>> -> memref<128x128xf32, #tpu.memory_space<vmem>>
      %dma_wait3A_63 = arith.constant 0 : i32
      %dma_wait3A_64 = tpu.memref_slice %arg7[%add3A_34, %dma_wait3A_63] : memref<10112x128xf32, #tpu.memory_space<vmem_shared>> -> memref<128x128xf32, #tpu.memory_space<vmem_shared>>
      tpu.wait_dma2 semaphore(%run_scoped3A : memref<!tpu.dma_semaphore, #tpu.memory_space<semaphore_mem>>) src(%dma_wait3A_64 : memref<128x128xf32, #tpu.memory_space<vmem_shared>>) dst(%dma_wait3A_62 : memref<128x128xf32, #tpu.memory_space<vmem>>)
      tpu.yield
    }) : () -> ()
    "tpu.region"() ({
      %run_scoped3A = tpu.sem_alloc : memref<!tpu.dma_semaphore, #tpu.memory_space<semaphore_mem>>
      %dma_start3A = arith.constant 0 : i32
      %dma_start3A_47 = arith.constant 0 : i32
      %dma_start3A_48 = tpu.memref_slice %arg6[%dma_start3A, %dma_start3A_47] : memref<128x128xf32, #tpu.memory_space<vmem>> -> memref<128x128xf32, #tpu.memory_space<vmem>>
      %dma_start3A_49 = arith.constant 0 : i32
      %dma_start3A_50 = tpu.memref_slice %arg4[%arg0, %add3A_34, %dma_start3A_49] : memref<2x10112x128xf32, #tpu.memory_space<hbm>> -> memref<1x128x128xf32, #tpu.memory_space<hbm>>
      %dma_start3A_51 = tpu.memref_squeeze %dma_start3A_50 : memref<1x128x128xf32, #tpu.memory_space<hbm>> -> memref<128x128xf32, #tpu.memory_space<hbm>>
      %dma_start3A_52 = arith.constant 0 : i32
      %dma_start3A_53 = tpu.memref_slice %arg4[%arg0, %add3A_34, %dma_start3A_52] : memref<2x10112x128xf32, #tpu.memory_space<hbm>> -> memref<1x128x128xf32, #tpu.memory_space<hbm>>
      %dma_start3A_54 = tpu.memref_squeeze %dma_start3A_53 : memref<1x128x128xf32, #tpu.memory_space<hbm>> -> memref<128x128xf32, #tpu.memory_space<hbm>>
      %dma_start3A_55 = arith.constant 0 : i32
      %dma_start3A_56 = arith.constant 0 : i32
      %dma_start3A_57 = tpu.memref_slice %arg6[%dma_start3A_55, %dma_start3A_56] : memref<128x128xf32, #tpu.memory_space<vmem>> -> memref<128x128xf32, #tpu.memory_space<vmem>>
      tpu.enqueue_dma source(%dma_start3A_57 : memref<128x128xf32, #tpu.memory_space<vmem>>) target(%dma_start3A_54 : memref<128x128xf32, #tpu.memory_space<hbm>>) target_semaphore(%run_scoped3A : memref<!tpu.dma_semaphore, #tpu.memory_space<semaphore_mem>>)
      %dma_wait3A = arith.constant 0 : i32
      %dma_wait3A_58 = arith.constant 0 : i32
      %dma_wait3A_59 = tpu.memref_slice %arg6[%dma_wait3A, %dma_wait3A_58] : memref<128x128xf32, #tpu.memory_space<vmem>> -> memref<128x128xf32, #tpu.memory_space<vmem>>
      %dma_wait3A_60 = arith.constant 0 : i32
      %dma_wait3A_61 = tpu.memref_slice %arg4[%arg0, %add3A_34, %dma_wait3A_60] : memref<2x10112x128xf32, #tpu.memory_space<hbm>> -> memref<1x128x128xf32, #tpu.memory_space<hbm>>
      %dma_wait3A_62 = tpu.memref_squeeze %dma_wait3A_61 : memref<1x128x128xf32, #tpu.memory_space<hbm>> -> memref<128x128xf32, #tpu.memory_space<hbm>>
      %dma_wait3A_63 = arith.constant 0 : i32
      %dma_wait3A_64 = tpu.memref_slice %arg4[%arg0, %add3A_34, %dma_wait3A_63] : memref<2x10112x128xf32, #tpu.memory_space<hbm>> -> memref<1x128x128xf32, #tpu.memory_space<hbm>>
      %dma_wait3A_65 = tpu.memref_squeeze %dma_wait3A_64 : memref<1x128x128xf32, #tpu.memory_space<hbm>> -> memref<128x128xf32, #tpu.memory_space<hbm>>
      %dma_wait3A_66 = arith.constant 0 : i32
      %dma_wait3A_67 = arith.constant 0 : i32
      %dma_wait3A_68 = tpu.memref_slice %arg6[%dma_wait3A_66, %dma_wait3A_67] : memref<128x128xf32, #tpu.memory_space<vmem>> -> memref<128x128xf32, #tpu.memory_space<vmem>>
      tpu.wait_dma2 semaphore(%run_scoped3A : memref<!tpu.dma_semaphore, #tpu.memory_space<semaphore_mem>>) src(%dma_wait3A_68 : memref<128x128xf32, #tpu.memory_space<vmem>>) dst(%dma_wait3A_65 : memref<128x128xf32, #tpu.memory_space<hbm>>)
      tpu.yield
    }) : () -> ()
    %mul3A_35 = arith.constant 632 : i32
    %mul3A_36 = arith.muli %arg1, %mul3A_35 : i32
    %add3A_37 = arith.constant 256 : i32
    %add3A_38 = arith.addi %mul3A_36, %add3A_37 : i32
    "tpu.region"() ({
      %run_scoped3A = tpu.sem_alloc : memref<!tpu.dma_semaphore, #tpu.memory_space<semaphore_mem>>
      %dma_start3A = arith.constant 0 : i32
      %dma_start3A_47 = arith.constant 0 : i32
      %dma_start3A_48 = tpu.memref_slice %arg6[%dma_start3A, %dma_start3A_47] : memref<128x128xf32, #tpu.memory_space<vmem>> -> memref<128x128xf32, #tpu.memory_space<vmem>>
      %dma_start3A_49 = arith.constant 0 : i32
      %dma_start3A_50 = tpu.memref_slice %arg7[%add3A_38, %dma_start3A_49] : memref<10112x128xf32, #tpu.memory_space<vmem_shared>> -> memref<128x128xf32, #tpu.memory_space<vmem_shared>>
      %dma_start3A_51 = arith.constant 0 : i32
      %dma_start3A_52 = arith.constant 0 : i32
      %dma_start3A_53 = tpu.memref_slice %arg6[%dma_start3A_51, %dma_start3A_52] : memref<128x128xf32, #tpu.memory_space<vmem>> -> memref<128x128xf32, #tpu.memory_space<vmem>>
      %dma_start3A_54 = arith.constant 0 : i32
      %dma_start3A_55 = tpu.memref_slice %arg7[%add3A_38, %dma_start3A_54] : memref<10112x128xf32, #tpu.memory_space<vmem_shared>> -> memref<128x128xf32, #tpu.memory_space<vmem_shared>>
      tpu.enqueue_dma source(%dma_start3A_55 : memref<128x128xf32, #tpu.memory_space<vmem_shared>>) target(%dma_start3A_53 : memref<128x128xf32, #tpu.memory_space<vmem>>) target_semaphore(%run_scoped3A : memref<!tpu.dma_semaphore, #tpu.memory_space<semaphore_mem>>)
      %dma_wait3A = arith.constant 0 : i32
      %dma_wait3A_56 = arith.constant 0 : i32
      %dma_wait3A_57 = tpu.memref_slice %arg6[%dma_wait3A, %dma_wait3A_56] : memref<128x128xf32, #tpu.memory_space<vmem>> -> memref<128x128xf32, #tpu.memory_space<vmem>>
      %dma_wait3A_58 = arith.constant 0 : i32
      %dma_wait3A_59 = tpu.memref_slice %arg7[%add3A_38, %dma_wait3A_58] : memref<10112x128xf32, #tpu.memory_space<vmem_shared>> -> memref<128x128xf32, #tpu.memory_space<vmem_shared>>
      %dma_wait3A_60 = arith.constant 0 : i32
      %dma_wait3A_61 = arith.constant 0 : i32
      %dma_wait3A_62 = tpu.memref_slice %arg6[%dma_wait3A_60, %dma_wait3A_61] : memref<128x128xf32, #tpu.memory_space<vmem>> -> memref<128x128xf32, #tpu.memory_space<vmem>>
      %dma_wait3A_63 = arith.constant 0 : i32
      %dma_wait3A_64 = tpu.memref_slice %arg7[%add3A_38, %dma_wait3A_63] : memref<10112x128xf32, #tpu.memory_space<vmem_shared>> -> memref<128x128xf32, #tpu.memory_space<vmem_shared>>
      tpu.wait_dma2 semaphore(%run_scoped3A : memref<!tpu.dma_semaphore, #tpu.memory_space<semaphore_mem>>) src(%dma_wait3A_64 : memref<128x128xf32, #tpu.memory_space<vmem_shared>>) dst(%dma_wait3A_62 : memref<128x128xf32, #tpu.memory_space<vmem>>)
      tpu.yield
    }) : () -> ()
    "tpu.region"() ({
      %run_scoped3A = tpu.sem_alloc : memref<!tpu.dma_semaphore, #tpu.memory_space<semaphore_mem>>
      %dma_start3A = arith.constant 0 : i32
      %dma_start3A_47 = arith.constant 0 : i32
      %dma_start3A_48 = tpu.memref_slice %arg6[%dma_start3A, %dma_start3A_47] : memref<128x128xf32, #tpu.memory_space<vmem>> -> memref<128x128xf32, #tpu.memory_space<vmem>>
      %dma_start3A_49 = arith.constant 0 : i32
      %dma_start3A_50 = tpu.memref_slice %arg4[%arg0, %add3A_38, %dma_start3A_49] : memref<2x10112x128xf32, #tpu.memory_space<hbm>> -> memref<1x128x128xf32, #tpu.memory_space<hbm>>
      %dma_start3A_51 = tpu.memref_squeeze %dma_start3A_50 : memref<1x128x128xf32, #tpu.memory_space<hbm>> -> memref<128x128xf32, #tpu.memory_space<hbm>>
      %dma_start3A_52 = arith.constant 0 : i32
      %dma_start3A_53 = tpu.memref_slice %arg4[%arg0, %add3A_38, %dma_start3A_52] : memref<2x10112x128xf32, #tpu.memory_space<hbm>> -> memref<1x128x128xf32, #tpu.memory_space<hbm>>
      %dma_start3A_54 = tpu.memref_squeeze %dma_start3A_53 : memref<1x128x128xf32, #tpu.memory_space<hbm>> -> memref<128x128xf32, #tpu.memory_space<hbm>>
      %dma_start3A_55 = arith.constant 0 : i32
      %dma_start3A_56 = arith.constant 0 : i32
      %dma_start3A_57 = tpu.memref_slice %arg6[%dma_start3A_55, %dma_start3A_56] : memref<128x128xf32, #tpu.memory_space<vmem>> -> memref<128x128xf32, #tpu.memory_space<vmem>>
      tpu.enqueue_dma source(%dma_start3A_57 : memref<128x128xf32, #tpu.memory_space<vmem>>) target(%dma_start3A_54 : memref<128x128xf32, #tpu.memory_space<hbm>>) target_semaphore(%run_scoped3A : memref<!tpu.dma_semaphore, #tpu.memory_space<semaphore_mem>>)
      %dma_wait3A = arith.constant 0 : i32
      %dma_wait3A_58 = arith.constant 0 : i32
      %dma_wait3A_59 = tpu.memref_slice %arg6[%dma_wait3A, %dma_wait3A_58] : memref<128x128xf32, #tpu.memory_space<vmem>> -> memref<128x128xf32, #tpu.memory_space<vmem>>
      %dma_wait3A_60 = arith.constant 0 : i32
      %dma_wait3A_61 = tpu.memref_slice %arg4[%arg0, %add3A_38, %dma_wait3A_60] : memref<2x10112x128xf32, #tpu.memory_space<hbm>> -> memref<1x128x128xf32, #tpu.memory_space<hbm>>
      %dma_wait3A_62 = tpu.memref_squeeze %dma_wait3A_61 : memref<1x128x128xf32, #tpu.memory_space<hbm>> -> memref<128x128xf32, #tpu.memory_space<hbm>>
      %dma_wait3A_63 = arith.constant 0 : i32
      %dma_wait3A_64 = tpu.memref_slice %arg4[%arg0, %add3A_38, %dma_wait3A_63] : memref<2x10112x128xf32, #tpu.memory_space<hbm>> -> memref<1x128x128xf32, #tpu.memory_space<hbm>>
      %dma_wait3A_65 = tpu.memref_squeeze %dma_wait3A_64 : memref<1x128x128xf32, #tpu.memory_space<hbm>> -> memref<128x128xf32, #tpu.memory_space<hbm>>
      %dma_wait3A_66 = arith.constant 0 : i32
      %dma_wait3A_67 = arith.constant 0 : i32
      %dma_wait3A_68 = tpu.memref_slice %arg6[%dma_wait3A_66, %dma_wait3A_67] : memref<128x128xf32, #tpu.memory_space<vmem>> -> memref<128x128xf32, #tpu.memory_space<vmem>>
      tpu.wait_dma2 semaphore(%run_scoped3A : memref<!tpu.dma_semaphore, #tpu.memory_space<semaphore_mem>>) src(%dma_wait3A_68 : memref<128x128xf32, #tpu.memory_space<vmem>>) dst(%dma_wait3A_65 : memref<128x128xf32, #tpu.memory_space<hbm>>)
      tpu.yield
    }) : () -> ()
    %mul3A_39 = arith.constant 632 : i32
    %mul3A_40 = arith.muli %arg1, %mul3A_39 : i32
    %add3A_41 = arith.constant 384 : i32
    %add3A_42 = arith.addi %mul3A_40, %add3A_41 : i32
    "tpu.region"() ({
      %run_scoped3A = tpu.sem_alloc : memref<!tpu.dma_semaphore, #tpu.memory_space<semaphore_mem>>
      %dma_start3A = arith.constant 0 : i32
      %dma_start3A_47 = arith.constant 0 : i32
      %dma_start3A_48 = tpu.memref_slice %arg6[%dma_start3A, %dma_start3A_47] : memref<128x128xf32, #tpu.memory_space<vmem>> -> memref<128x128xf32, #tpu.memory_space<vmem>>
      %dma_start3A_49 = arith.constant 0 : i32
      %dma_start3A_50 = tpu.memref_slice %arg7[%add3A_42, %dma_start3A_49] : memref<10112x128xf32, #tpu.memory_space<vmem_shared>> -> memref<128x128xf32, #tpu.memory_space<vmem_shared>>
      %dma_start3A_51 = arith.constant 0 : i32
      %dma_start3A_52 = arith.constant 0 : i32
      %dma_start3A_53 = tpu.memref_slice %arg6[%dma_start3A_51, %dma_start3A_52] : memref<128x128xf32, #tpu.memory_space<vmem>> -> memref<128x128xf32, #tpu.memory_space<vmem>>
      %dma_start3A_54 = arith.constant 0 : i32
      %dma_start3A_55 = tpu.memref_slice %arg7[%add3A_42, %dma_start3A_54] : memref<10112x128xf32, #tpu.memory_space<vmem_shared>> -> memref<128x128xf32, #tpu.memory_space<vmem_shared>>
      tpu.enqueue_dma source(%dma_start3A_55 : memref<128x128xf32, #tpu.memory_space<vmem_shared>>) target(%dma_start3A_53 : memref<128x128xf32, #tpu.memory_space<vmem>>) target_semaphore(%run_scoped3A : memref<!tpu.dma_semaphore, #tpu.memory_space<semaphore_mem>>)
      %dma_wait3A = arith.constant 0 : i32
      %dma_wait3A_56 = arith.constant 0 : i32
      %dma_wait3A_57 = tpu.memref_slice %arg6[%dma_wait3A, %dma_wait3A_56] : memref<128x128xf32, #tpu.memory_space<vmem>> -> memref<128x128xf32, #tpu.memory_space<vmem>>
      %dma_wait3A_58 = arith.constant 0 : i32
      %dma_wait3A_59 = tpu.memref_slice %arg7[%add3A_42, %dma_wait3A_58] : memref<10112x128xf32, #tpu.memory_space<vmem_shared>> -> memref<128x128xf32, #tpu.memory_space<vmem_shared>>
      %dma_wait3A_60 = arith.constant 0 : i32
      %dma_wait3A_61 = arith.constant 0 : i32
      %dma_wait3A_62 = tpu.memref_slice %arg6[%dma_wait3A_60, %dma_wait3A_61] : memref<128x128xf32, #tpu.memory_space<vmem>> -> memref<128x128xf32, #tpu.memory_space<vmem>>
      %dma_wait3A_63 = arith.constant 0 : i32
      %dma_wait3A_64 = tpu.memref_slice %arg7[%add3A_42, %dma_wait3A_63] : memref<10112x128xf32, #tpu.memory_space<vmem_shared>> -> memref<128x128xf32, #tpu.memory_space<vmem_shared>>
      tpu.wait_dma2 semaphore(%run_scoped3A : memref<!tpu.dma_semaphore, #tpu.memory_space<semaphore_mem>>) src(%dma_wait3A_64 : memref<128x128xf32, #tpu.memory_space<vmem_shared>>) dst(%dma_wait3A_62 : memref<128x128xf32, #tpu.memory_space<vmem>>)
      tpu.yield
    }) : () -> ()
    "tpu.region"() ({
      %run_scoped3A = tpu.sem_alloc : memref<!tpu.dma_semaphore, #tpu.memory_space<semaphore_mem>>
      %dma_start3A = arith.constant 0 : i32
      %dma_start3A_47 = arith.constant 0 : i32
      %dma_start3A_48 = tpu.memref_slice %arg6[%dma_start3A, %dma_start3A_47] : memref<128x128xf32, #tpu.memory_space<vmem>> -> memref<128x128xf32, #tpu.memory_space<vmem>>
      %dma_start3A_49 = arith.constant 0 : i32
      %dma_start3A_50 = tpu.memref_slice %arg4[%arg0, %add3A_42, %dma_start3A_49] : memref<2x10112x128xf32, #tpu.memory_space<hbm>> -> memref<1x128x128xf32, #tpu.memory_space<hbm>>
      %dma_start3A_51 = tpu.memref_squeeze %dma_start3A_50 : memref<1x128x128xf32, #tpu.memory_space<hbm>> -> memref<128x128xf32, #tpu.memory_space<hbm>>
      %dma_start3A_52 = arith.constant 0 : i32
      %dma_start3A_53 = tpu.memref_slice %arg4[%arg0, %add3A_42, %dma_start3A_52] : memref<2x10112x128xf32, #tpu.memory_space<hbm>> -> memref<1x128x128xf32, #tpu.memory_space<hbm>>
      %dma_start3A_54 = tpu.memref_squeeze %dma_start3A_53 : memref<1x128x128xf32, #tpu.memory_space<hbm>> -> memref<128x128xf32, #tpu.memory_space<hbm>>
      %dma_start3A_55 = arith.constant 0 : i32
      %dma_start3A_56 = arith.constant 0 : i32
      %dma_start3A_57 = tpu.memref_slice %arg6[%dma_start3A_55, %dma_start3A_56] : memref<128x128xf32, #tpu.memory_space<vmem>> -> memref<128x128xf32, #tpu.memory_space<vmem>>
      tpu.enqueue_dma source(%dma_start3A_57 : memref<128x128xf32, #tpu.memory_space<vmem>>) target(%dma_start3A_54 : memref<128x128xf32, #tpu.memory_space<hbm>>) target_semaphore(%run_scoped3A : memref<!tpu.dma_semaphore, #tpu.memory_space<semaphore_mem>>)
      %dma_wait3A = arith.constant 0 : i32
      %dma_wait3A_58 = arith.constant 0 : i32
      %dma_wait3A_59 = tpu.memref_slice %arg6[%dma_wait3A, %dma_wait3A_58] : memref<128x128xf32, #tpu.memory_space<vmem>> -> memref<128x128xf32, #tpu.memory_space<vmem>>
      %dma_wait3A_60 = arith.constant 0 : i32
      %dma_wait3A_61 = tpu.memref_slice %arg4[%arg0, %add3A_42, %dma_wait3A_60] : memref<2x10112x128xf32, #tpu.memory_space<hbm>> -> memref<1x128x128xf32, #tpu.memory_space<hbm>>
      %dma_wait3A_62 = tpu.memref_squeeze %dma_wait3A_61 : memref<1x128x128xf32, #tpu.memory_space<hbm>> -> memref<128x128xf32, #tpu.memory_space<hbm>>
      %dma_wait3A_63 = arith.constant 0 : i32
      %dma_wait3A_64 = tpu.memref_slice %arg4[%arg0, %add3A_42, %dma_wait3A_63] : memref<2x10112x128xf32, #tpu.memory_space<hbm>> -> memref<1x128x128xf32, #tpu.memory_space<hbm>>
      %dma_wait3A_65 = tpu.memref_squeeze %dma_wait3A_64 : memref<1x128x128xf32, #tpu.memory_space<hbm>> -> memref<128x128xf32, #tpu.memory_space<hbm>>
      %dma_wait3A_66 = arith.constant 0 : i32
      %dma_wait3A_67 = arith.constant 0 : i32
      %dma_wait3A_68 = tpu.memref_slice %arg6[%dma_wait3A_66, %dma_wait3A_67] : memref<128x128xf32, #tpu.memory_space<vmem>> -> memref<128x128xf32, #tpu.memory_space<vmem>>
      tpu.wait_dma2 semaphore(%run_scoped3A : memref<!tpu.dma_semaphore, #tpu.memory_space<semaphore_mem>>) src(%dma_wait3A_68 : memref<128x128xf32, #tpu.memory_space<vmem>>) dst(%dma_wait3A_65 : memref<128x128xf32, #tpu.memory_space<hbm>>)
      tpu.yield
    }) : () -> ()
    %mul3A_43 = arith.constant 632 : i32
    %mul3A_44 = arith.muli %arg1, %mul3A_43 : i32
    %add3A_45 = arith.constant 512 : i32
    %add3A_46 = arith.addi %mul3A_44, %add3A_45 : i32
    "tpu.region"() ({
      %run_scoped3A = tpu.sem_alloc : memref<!tpu.dma_semaphore, #tpu.memory_space<semaphore_mem>>
      %dma_start3A = arith.constant 0 : i32
      %dma_start3A_47 = arith.constant 0 : i32
      %dma_start3A_48 = tpu.memref_slice %arg6[%dma_start3A, %dma_start3A_47] : memref<128x128xf32, #tpu.memory_space<vmem>> -> memref<120x128xf32, #tpu.memory_space<vmem>>
      %dma_start3A_49 = arith.constant 0 : i32
      %dma_start3A_50 = tpu.memref_slice %arg7[%add3A_46, %dma_start3A_49] : memref<10112x128xf32, #tpu.memory_space<vmem_shared>> -> memref<120x128xf32, #tpu.memory_space<vmem_shared>>
      %dma_start3A_51 = arith.constant 0 : i32
      %dma_start3A_52 = arith.constant 0 : i32
      %dma_start3A_53 = tpu.memref_slice %arg6[%dma_start3A_51, %dma_start3A_52] : memref<128x128xf32, #tpu.memory_space<vmem>> -> memref<120x128xf32, #tpu.memory_space<vmem>>
      %dma_start3A_54 = arith.constant 0 : i32
      %dma_start3A_55 = tpu.memref_slice %arg7[%add3A_46, %dma_start3A_54] : memref<10112x128xf32, #tpu.memory_space<vmem_shared>> -> memref<120x128xf32, #tpu.memory_space<vmem_shared>>
      tpu.enqueue_dma source(%dma_start3A_55 : memref<120x128xf32, #tpu.memory_space<vmem_shared>>) target(%dma_start3A_53 : memref<120x128xf32, #tpu.memory_space<vmem>>) target_semaphore(%run_scoped3A : memref<!tpu.dma_semaphore, #tpu.memory_space<semaphore_mem>>)
      %dma_wait3A = arith.constant 0 : i32
      %dma_wait3A_56 = arith.constant 0 : i32
      %dma_wait3A_57 = tpu.memref_slice %arg6[%dma_wait3A, %dma_wait3A_56] : memref<128x128xf32, #tpu.memory_space<vmem>> -> memref<120x128xf32, #tpu.memory_space<vmem>>
      %dma_wait3A_58 = arith.constant 0 : i32
      %dma_wait3A_59 = tpu.memref_slice %arg7[%add3A_46, %dma_wait3A_58] : memref<10112x128xf32, #tpu.memory_space<vmem_shared>> -> memref<120x128xf32, #tpu.memory_space<vmem_shared>>
      %dma_wait3A_60 = arith.constant 0 : i32
      %dma_wait3A_61 = arith.constant 0 : i32
      %dma_wait3A_62 = tpu.memref_slice %arg6[%dma_wait3A_60, %dma_wait3A_61] : memref<128x128xf32, #tpu.memory_space<vmem>> -> memref<120x128xf32, #tpu.memory_space<vmem>>
      %dma_wait3A_63 = arith.constant 0 : i32
      %dma_wait3A_64 = tpu.memref_slice %arg7[%add3A_46, %dma_wait3A_63] : memref<10112x128xf32, #tpu.memory_space<vmem_shared>> -> memref<120x128xf32, #tpu.memory_space<vmem_shared>>
      tpu.wait_dma2 semaphore(%run_scoped3A : memref<!tpu.dma_semaphore, #tpu.memory_space<semaphore_mem>>) src(%dma_wait3A_64 : memref<120x128xf32, #tpu.memory_space<vmem_shared>>) dst(%dma_wait3A_62 : memref<120x128xf32, #tpu.memory_space<vmem>>)
      tpu.yield
    }) : () -> ()
    "tpu.region"() ({
      %run_scoped3A = tpu.sem_alloc : memref<!tpu.dma_semaphore, #tpu.memory_space<semaphore_mem>>
      %dma_start3A = arith.constant 0 : i32
      %dma_start3A_47 = arith.constant 0 : i32
      %dma_start3A_48 = tpu.memref_slice %arg6[%dma_start3A, %dma_start3A_47] : memref<128x128xf32, #tpu.memory_space<vmem>> -> memref<120x128xf32, #tpu.memory_space<vmem>>
      %dma_start3A_49 = arith.constant 0 : i32
      %dma_start3A_50 = tpu.memref_slice %arg4[%arg0, %add3A_46, %dma_start3A_49] : memref<2x10112x128xf32, #tpu.memory_space<hbm>> -> memref<1x120x128xf32, #tpu.memory_space<hbm>>
      %dma_start3A_51 = tpu.memref_squeeze %dma_start3A_50 : memref<1x120x128xf32, #tpu.memory_space<hbm>> -> memref<120x128xf32, #tpu.memory_space<hbm>>
      %dma_start3A_52 = arith.constant 0 : i32
      %dma_start3A_53 = tpu.memref_slice %arg4[%arg0, %add3A_46, %dma_start3A_52] : memref<2x10112x128xf32, #tpu.memory_space<hbm>> -> memref<1x120x128xf32, #tpu.memory_space<hbm>>
      %dma_start3A_54 = tpu.memref_squeeze %dma_start3A_53 : memref<1x120x128xf32, #tpu.memory_space<hbm>> -> memref<120x128xf32, #tpu.memory_space<hbm>>
      %dma_start3A_55 = arith.constant 0 : i32
      %dma_start3A_56 = arith.constant 0 : i32
      %dma_start3A_57 = tpu.memref_slice %arg6[%dma_start3A_55, %dma_start3A_56] : memref<128x128xf32, #tpu.memory_space<vmem>> -> memref<120x128xf32, #tpu.memory_space<vmem>>
      tpu.enqueue_dma source(%dma_start3A_57 : memref<120x128xf32, #tpu.memory_space<vmem>>) target(%dma_start3A_54 : memref<120x128xf32, #tpu.memory_space<hbm>>) target_semaphore(%run_scoped3A : memref<!tpu.dma_semaphore, #tpu.memory_space<semaphore_mem>>)
      %dma_wait3A = arith.constant 0 : i32
      %dma_wait3A_58 = arith.constant 0 : i32
      %dma_wait3A_59 = tpu.memref_slice %arg6[%dma_wait3A, %dma_wait3A_58] : memref<128x128xf32, #tpu.memory_space<vmem>> -> memref<120x128xf32, #tpu.memory_space<vmem>>
      %dma_wait3A_60 = arith.constant 0 : i32
      %dma_wait3A_61 = tpu.memref_slice %arg4[%arg0, %add3A_46, %dma_wait3A_60] : memref<2x10112x128xf32, #tpu.memory_space<hbm>> -> memref<1x120x128xf32, #tpu.memory_space<hbm>>
      %dma_wait3A_62 = tpu.memref_squeeze %dma_wait3A_61 : memref<1x120x128xf32, #tpu.memory_space<hbm>> -> memref<120x128xf32, #tpu.memory_space<hbm>>
      %dma_wait3A_63 = arith.constant 0 : i32
      %dma_wait3A_64 = tpu.memref_slice %arg4[%arg0, %add3A_46, %dma_wait3A_63] : memref<2x10112x128xf32, #tpu.memory_space<hbm>> -> memref<1x120x128xf32, #tpu.memory_space<hbm>>
      %dma_wait3A_65 = tpu.memref_squeeze %dma_wait3A_64 : memref<1x120x128xf32, #tpu.memory_space<hbm>> -> memref<120x128xf32, #tpu.memory_space<hbm>>
      %dma_wait3A_66 = arith.constant 0 : i32
      %dma_wait3A_67 = arith.constant 0 : i32
      %dma_wait3A_68 = tpu.memref_slice %arg6[%dma_wait3A_66, %dma_wait3A_67] : memref<128x128xf32, #tpu.memory_space<vmem>> -> memref<120x128xf32, #tpu.memory_space<vmem>>
      tpu.wait_dma2 semaphore(%run_scoped3A : memref<!tpu.dma_semaphore, #tpu.memory_space<semaphore_mem>>) src(%dma_wait3A_68 : memref<120x128xf32, #tpu.memory_space<vmem>>) dst(%dma_wait3A_65 : memref<120x128xf32, #tpu.memory_space<hbm>>)
      tpu.yield
    }) : () -> ()
    return
  }
}

#map = affine_map<(d0, d1) -> (0, 0)>
#map1 = affine_map<(d0, d1) -> (0, 0, 0)>
module attributes {stable_mosaic.version = 14 : i64} {
  func.func @body(%arg0: i32, %arg1: i32, %arg2: memref<10112x128xf32, #tpu.memory_space<hbm>>, %arg3: memref<32x79x128xi32, #tpu.memory_space<hbm>>, %arg4: memref<32x79x128xi32, #tpu.memory_space<hbm>>, %arg5: memref<2x10112x128xf32, #tpu.memory_space<hbm>>, %arg6: memref<79x128xi32, #tpu.memory_space<vmem>>, %arg7: memref<79x128xi32, #tpu.memory_space<vmem>>, %arg8: memref<128x128xf32, #tpu.memory_space<vmem>>, %arg9: memref<10112x128xf32, #tpu.memory_space<vmem_shared>>) attributes {dimension_semantics = [#tpu.dimension_semantics<core_parallel>, #tpu.dimension_semantics<subcore_parallel>], iteration_bounds = array<i64: 2, 16>, scalar_prefetch = 0 : i64, scratch_operands = 4 : i64, tpu.core_type = #tpu.core_type<sc_vector_subcore>, window_params = [{transform_indices = #map}, {transform_indices = #map1}, {transform_indices = #map1}, {transform_indices = #map1}]} {
    %mul3A = arith.constant 16 : i32
    %mul3A_0 = arith.muli %arg0, %mul3A : i32
    %add3A = arith.addi %mul3A_0, %arg1 : i32
    %mul3A_1 = arith.constant 632 : i32
    %mul3A_2 = arith.muli %arg1, %mul3A_1 : i32
    %add3A_3 = arith.constant 0 : i32
    %add3A_4 = arith.addi %mul3A_2, %add3A_3 : i32
    "tpu.region"() ({
      %run_scoped3A = tpu.sem_alloc : memref<!tpu.dma_semaphore, #tpu.memory_space<semaphore_mem>>
      %dma_start3A = arith.constant 0 : i32
      %dma_start3A_47 = arith.constant 0 : i32
      %dma_start3A_48 = tpu.memref_slice %arg8[%dma_start3A, %dma_start3A_47] : memref<128x128xf32, #tpu.memory_space<vmem>> -> memref<128x128xf32, #tpu.memory_space<vmem>>
      %dma_start3A_49 = arith.constant 0 : i32
      %dma_start3A_50 = tpu.memref_slice %arg2[%add3A_4, %dma_start3A_49] : memref<10112x128xf32, #tpu.memory_space<hbm>> -> memref<128x128xf32, #tpu.memory_space<hbm>>
      %dma_start3A_51 = arith.constant 0 : i32
      %dma_start3A_52 = arith.constant 0 : i32
      %dma_start3A_53 = tpu.memref_slice %arg8[%dma_start3A_51, %dma_start3A_52] : memref<128x128xf32, #tpu.memory_space<vmem>> -> memref<128x128xf32, #tpu.memory_space<vmem>>
      %dma_start3A_54 = arith.constant 0 : i32
      %dma_start3A_55 = tpu.memref_slice %arg2[%add3A_4, %dma_start3A_54] : memref<10112x128xf32, #tpu.memory_space<hbm>> -> memref<128x128xf32, #tpu.memory_space<hbm>>
      tpu.enqueue_dma source(%dma_start3A_55 : memref<128x128xf32, #tpu.memory_space<hbm>>) target(%dma_start3A_53 : memref<128x128xf32, #tpu.memory_space<vmem>>) target_semaphore(%run_scoped3A : memref<!tpu.dma_semaphore, #tpu.memory_space<semaphore_mem>>)
      %dma_wait3A = arith.constant 0 : i32
      %dma_wait3A_56 = arith.constant 0 : i32
      %dma_wait3A_57 = tpu.memref_slice %arg8[%dma_wait3A, %dma_wait3A_56] : memref<128x128xf32, #tpu.memory_space<vmem>> -> memref<128x128xf32, #tpu.memory_space<vmem>>
      %dma_wait3A_58 = arith.constant 0 : i32
      %dma_wait3A_59 = tpu.memref_slice %arg2[%add3A_4, %dma_wait3A_58] : memref<10112x128xf32, #tpu.memory_space<hbm>> -> memref<128x128xf32, #tpu.memory_space<hbm>>
      %dma_wait3A_60 = arith.constant 0 : i32
      %dma_wait3A_61 = arith.constant 0 : i32
      %dma_wait3A_62 = tpu.memref_slice %arg8[%dma_wait3A_60, %dma_wait3A_61] : memref<128x128xf32, #tpu.memory_space<vmem>> -> memref<128x128xf32, #tpu.memory_space<vmem>>
      %dma_wait3A_63 = arith.constant 0 : i32
      %dma_wait3A_64 = tpu.memref_slice %arg2[%add3A_4, %dma_wait3A_63] : memref<10112x128xf32, #tpu.memory_space<hbm>> -> memref<128x128xf32, #tpu.memory_space<hbm>>
      tpu.wait_dma2 semaphore(%run_scoped3A : memref<!tpu.dma_semaphore, #tpu.memory_space<semaphore_mem>>) src(%dma_wait3A_64 : memref<128x128xf32, #tpu.memory_space<hbm>>) dst(%dma_wait3A_62 : memref<128x128xf32, #tpu.memory_space<vmem>>)
      tpu.yield
    }) : () -> ()
    "tpu.region"() ({
      %run_scoped3A = tpu.sem_alloc : memref<!tpu.dma_semaphore, #tpu.memory_space<semaphore_mem>>
      %dma_start3A = arith.constant 0 : i32
      %dma_start3A_47 = arith.constant 0 : i32
      %dma_start3A_48 = tpu.memref_slice %arg8[%dma_start3A, %dma_start3A_47] : memref<128x128xf32, #tpu.memory_space<vmem>> -> memref<128x128xf32, #tpu.memory_space<vmem>>
      %dma_start3A_49 = arith.constant 0 : i32
      %dma_start3A_50 = tpu.memref_slice %arg9[%add3A_4, %dma_start3A_49] : memref<10112x128xf32, #tpu.memory_space<vmem_shared>> -> memref<128x128xf32, #tpu.memory_space<vmem_shared>>
      %dma_start3A_51 = arith.constant 0 : i32
      %dma_start3A_52 = tpu.memref_slice %arg9[%add3A_4, %dma_start3A_51] : memref<10112x128xf32, #tpu.memory_space<vmem_shared>> -> memref<128x128xf32, #tpu.memory_space<vmem_shared>>
      %dma_start3A_53 = arith.constant 0 : i32
      %dma_start3A_54 = arith.constant 0 : i32
      %dma_start3A_55 = tpu.memref_slice %arg8[%dma_start3A_53, %dma_start3A_54] : memref<128x128xf32, #tpu.memory_space<vmem>> -> memref<128x128xf32, #tpu.memory_space<vmem>>
      tpu.enqueue_dma source(%dma_start3A_55 : memref<128x128xf32, #tpu.memory_space<vmem>>) target(%dma_start3A_52 : memref<128x128xf32, #tpu.memory_space<vmem_shared>>) target_semaphore(%run_scoped3A : memref<!tpu.dma_semaphore, #tpu.memory_space<semaphore_mem>>)
      %dma_wait3A = arith.constant 0 : i32
      %dma_wait3A_56 = arith.constant 0 : i32
      %dma_wait3A_57 = tpu.memref_slice %arg8[%dma_wait3A, %dma_wait3A_56] : memref<128x128xf32, #tpu.memory_space<vmem>> -> memref<128x128xf32, #tpu.memory_space<vmem>>
      %dma_wait3A_58 = arith.constant 0 : i32
      %dma_wait3A_59 = tpu.memref_slice %arg9[%add3A_4, %dma_wait3A_58] : memref<10112x128xf32, #tpu.memory_space<vmem_shared>> -> memref<128x128xf32, #tpu.memory_space<vmem_shared>>
      %dma_wait3A_60 = arith.constant 0 : i32
      %dma_wait3A_61 = tpu.memref_slice %arg9[%add3A_4, %dma_wait3A_60] : memref<10112x128xf32, #tpu.memory_space<vmem_shared>> -> memref<128x128xf32, #tpu.memory_space<vmem_shared>>
      %dma_wait3A_62 = arith.constant 0 : i32
      %dma_wait3A_63 = arith.constant 0 : i32
      %dma_wait3A_64 = tpu.memref_slice %arg8[%dma_wait3A_62, %dma_wait3A_63] : memref<128x128xf32, #tpu.memory_space<vmem>> -> memref<128x128xf32, #tpu.memory_space<vmem>>
      tpu.wait_dma2 semaphore(%run_scoped3A : memref<!tpu.dma_semaphore, #tpu.memory_space<semaphore_mem>>) src(%dma_wait3A_64 : memref<128x128xf32, #tpu.memory_space<vmem>>) dst(%dma_wait3A_61 : memref<128x128xf32, #tpu.memory_space<vmem_shared>>)
      tpu.yield
    }) : () -> ()
    %mul3A_5 = arith.constant 632 : i32
    %mul3A_6 = arith.muli %arg1, %mul3A_5 : i32
    %add3A_7 = arith.constant 128 : i32
    %add3A_8 = arith.addi %mul3A_6, %add3A_7 : i32
    "tpu.region"() ({
      %run_scoped3A = tpu.sem_alloc : memref<!tpu.dma_semaphore, #tpu.memory_space<semaphore_mem>>
      %dma_start3A = arith.constant 0 : i32
      %dma_start3A_47 = arith.constant 0 : i32
      %dma_start3A_48 = tpu.memref_slice %arg8[%dma_start3A, %dma_start3A_47] : memref<128x128xf32, #tpu.memory_space<vmem>> -> memref<128x128xf32, #tpu.memory_space<vmem>>
      %dma_start3A_49 = arith.constant 0 : i32
      %dma_start3A_50 = tpu.memref_slice %arg2[%add3A_8, %dma_start3A_49] : memref<10112x128xf32, #tpu.memory_space<hbm>> -> memref<128x128xf32, #tpu.memory_space<hbm>>
      %dma_start3A_51 = arith.constant 0 : i32
      %dma_start3A_52 = arith.constant 0 : i32
      %dma_start3A_53 = tpu.memref_slice %arg8[%dma_start3A_51, %dma_start3A_52] : memref<128x128xf32, #tpu.memory_space<vmem>> -> memref<128x128xf32, #tpu.memory_space<vmem>>
      %dma_start3A_54 = arith.constant 0 : i32
      %dma_start3A_55 = tpu.memref_slice %arg2[%add3A_8, %dma_start3A_54] : memref<10112x128xf32, #tpu.memory_space<hbm>> -> memref<128x128xf32, #tpu.memory_space<hbm>>
      tpu.enqueue_dma source(%dma_start3A_55 : memref<128x128xf32, #tpu.memory_space<hbm>>) target(%dma_start3A_53 : memref<128x128xf32, #tpu.memory_space<vmem>>) target_semaphore(%run_scoped3A : memref<!tpu.dma_semaphore, #tpu.memory_space<semaphore_mem>>)
      %dma_wait3A = arith.constant 0 : i32
      %dma_wait3A_56 = arith.constant 0 : i32
      %dma_wait3A_57 = tpu.memref_slice %arg8[%dma_wait3A, %dma_wait3A_56] : memref<128x128xf32, #tpu.memory_space<vmem>> -> memref<128x128xf32, #tpu.memory_space<vmem>>
      %dma_wait3A_58 = arith.constant 0 : i32
      %dma_wait3A_59 = tpu.memref_slice %arg2[%add3A_8, %dma_wait3A_58] : memref<10112x128xf32, #tpu.memory_space<hbm>> -> memref<128x128xf32, #tpu.memory_space<hbm>>
      %dma_wait3A_60 = arith.constant 0 : i32
      %dma_wait3A_61 = arith.constant 0 : i32
      %dma_wait3A_62 = tpu.memref_slice %arg8[%dma_wait3A_60, %dma_wait3A_61] : memref<128x128xf32, #tpu.memory_space<vmem>> -> memref<128x128xf32, #tpu.memory_space<vmem>>
      %dma_wait3A_63 = arith.constant 0 : i32
      %dma_wait3A_64 = tpu.memref_slice %arg2[%add3A_8, %dma_wait3A_63] : memref<10112x128xf32, #tpu.memory_space<hbm>> -> memref<128x128xf32, #tpu.memory_space<hbm>>
      tpu.wait_dma2 semaphore(%run_scoped3A : memref<!tpu.dma_semaphore, #tpu.memory_space<semaphore_mem>>) src(%dma_wait3A_64 : memref<128x128xf32, #tpu.memory_space<hbm>>) dst(%dma_wait3A_62 : memref<128x128xf32, #tpu.memory_space<vmem>>)
      tpu.yield
    }) : () -> ()
    "tpu.region"() ({
      %run_scoped3A = tpu.sem_alloc : memref<!tpu.dma_semaphore, #tpu.memory_space<semaphore_mem>>
      %dma_start3A = arith.constant 0 : i32
      %dma_start3A_47 = arith.constant 0 : i32
      %dma_start3A_48 = tpu.memref_slice %arg8[%dma_start3A, %dma_start3A_47] : memref<128x128xf32, #tpu.memory_space<vmem>> -> memref<128x128xf32, #tpu.memory_space<vmem>>
      %dma_start3A_49 = arith.constant 0 : i32
      %dma_start3A_50 = tpu.memref_slice %arg9[%add3A_8, %dma_start3A_49] : memref<10112x128xf32, #tpu.memory_space<vmem_shared>> -> memref<128x128xf32, #tpu.memory_space<vmem_shared>>
      %dma_start3A_51 = arith.constant 0 : i32
      %dma_start3A_52 = tpu.memref_slice %arg9[%add3A_8, %dma_start3A_51] : memref<10112x128xf32, #tpu.memory_space<vmem_shared>> -> memref<128x128xf32, #tpu.memory_space<vmem_shared>>
      %dma_start3A_53 = arith.constant 0 : i32
      %dma_start3A_54 = arith.constant 0 : i32
      %dma_start3A_55 = tpu.memref_slice %arg8[%dma_start3A_53, %dma_start3A_54] : memref<128x128xf32, #tpu.memory_space<vmem>> -> memref<128x128xf32, #tpu.memory_space<vmem>>
      tpu.enqueue_dma source(%dma_start3A_55 : memref<128x128xf32, #tpu.memory_space<vmem>>) target(%dma_start3A_52 : memref<128x128xf32, #tpu.memory_space<vmem_shared>>) target_semaphore(%run_scoped3A : memref<!tpu.dma_semaphore, #tpu.memory_space<semaphore_mem>>)
      %dma_wait3A = arith.constant 0 : i32
      %dma_wait3A_56 = arith.constant 0 : i32
      %dma_wait3A_57 = tpu.memref_slice %arg8[%dma_wait3A, %dma_wait3A_56] : memref<128x128xf32, #tpu.memory_space<vmem>> -> memref<128x128xf32, #tpu.memory_space<vmem>>
      %dma_wait3A_58 = arith.constant 0 : i32
      %dma_wait3A_59 = tpu.memref_slice %arg9[%add3A_8, %dma_wait3A_58] : memref<10112x128xf32, #tpu.memory_space<vmem_shared>> -> memref<128x128xf32, #tpu.memory_space<vmem_shared>>
      %dma_wait3A_60 = arith.constant 0 : i32
      %dma_wait3A_61 = tpu.memref_slice %arg9[%add3A_8, %dma_wait3A_60] : memref<10112x128xf32, #tpu.memory_space<vmem_shared>> -> memref<128x128xf32, #tpu.memory_space<vmem_shared>>
      %dma_wait3A_62 = arith.constant 0 : i32
      %dma_wait3A_63 = arith.constant 0 : i32
      %dma_wait3A_64 = tpu.memref_slice %arg8[%dma_wait3A_62, %dma_wait3A_63] : memref<128x128xf32, #tpu.memory_space<vmem>> -> memref<128x128xf32, #tpu.memory_space<vmem>>
      tpu.wait_dma2 semaphore(%run_scoped3A : memref<!tpu.dma_semaphore, #tpu.memory_space<semaphore_mem>>) src(%dma_wait3A_64 : memref<128x128xf32, #tpu.memory_space<vmem>>) dst(%dma_wait3A_61 : memref<128x128xf32, #tpu.memory_space<vmem_shared>>)
      tpu.yield
    }) : () -> ()
    %mul3A_9 = arith.constant 632 : i32
    %mul3A_10 = arith.muli %arg1, %mul3A_9 : i32
    %add3A_11 = arith.constant 256 : i32
    %add3A_12 = arith.addi %mul3A_10, %add3A_11 : i32
    "tpu.region"() ({
      %run_scoped3A = tpu.sem_alloc : memref<!tpu.dma_semaphore, #tpu.memory_space<semaphore_mem>>
      %dma_start3A = arith.constant 0 : i32
      %dma_start3A_47 = arith.constant 0 : i32
      %dma_start3A_48 = tpu.memref_slice %arg8[%dma_start3A, %dma_start3A_47] : memref<128x128xf32, #tpu.memory_space<vmem>> -> memref<128x128xf32, #tpu.memory_space<vmem>>
      %dma_start3A_49 = arith.constant 0 : i32
      %dma_start3A_50 = tpu.memref_slice %arg2[%add3A_12, %dma_start3A_49] : memref<10112x128xf32, #tpu.memory_space<hbm>> -> memref<128x128xf32, #tpu.memory_space<hbm>>
      %dma_start3A_51 = arith.constant 0 : i32
      %dma_start3A_52 = arith.constant 0 : i32
      %dma_start3A_53 = tpu.memref_slice %arg8[%dma_start3A_51, %dma_start3A_52] : memref<128x128xf32, #tpu.memory_space<vmem>> -> memref<128x128xf32, #tpu.memory_space<vmem>>
      %dma_start3A_54 = arith.constant 0 : i32
      %dma_start3A_55 = tpu.memref_slice %arg2[%add3A_12, %dma_start3A_54] : memref<10112x128xf32, #tpu.memory_space<hbm>> -> memref<128x128xf32, #tpu.memory_space<hbm>>
      tpu.enqueue_dma source(%dma_start3A_55 : memref<128x128xf32, #tpu.memory_space<hbm>>) target(%dma_start3A_53 : memref<128x128xf32, #tpu.memory_space<vmem>>) target_semaphore(%run_scoped3A : memref<!tpu.dma_semaphore, #tpu.memory_space<semaphore_mem>>)
      %dma_wait3A = arith.constant 0 : i32
      %dma_wait3A_56 = arith.constant 0 : i32
      %dma_wait3A_57 = tpu.memref_slice %arg8[%dma_wait3A, %dma_wait3A_56] : memref<128x128xf32, #tpu.memory_space<vmem>> -> memref<128x128xf32, #tpu.memory_space<vmem>>
      %dma_wait3A_58 = arith.constant 0 : i32
      %dma_wait3A_59 = tpu.memref_slice %arg2[%add3A_12, %dma_wait3A_58] : memref<10112x128xf32, #tpu.memory_space<hbm>> -> memref<128x128xf32, #tpu.memory_space<hbm>>
      %dma_wait3A_60 = arith.constant 0 : i32
      %dma_wait3A_61 = arith.constant 0 : i32
      %dma_wait3A_62 = tpu.memref_slice %arg8[%dma_wait3A_60, %dma_wait3A_61] : memref<128x128xf32, #tpu.memory_space<vmem>> -> memref<128x128xf32, #tpu.memory_space<vmem>>
      %dma_wait3A_63 = arith.constant 0 : i32
      %dma_wait3A_64 = tpu.memref_slice %arg2[%add3A_12, %dma_wait3A_63] : memref<10112x128xf32, #tpu.memory_space<hbm>> -> memref<128x128xf32, #tpu.memory_space<hbm>>
      tpu.wait_dma2 semaphore(%run_scoped3A : memref<!tpu.dma_semaphore, #tpu.memory_space<semaphore_mem>>) src(%dma_wait3A_64 : memref<128x128xf32, #tpu.memory_space<hbm>>) dst(%dma_wait3A_62 : memref<128x128xf32, #tpu.memory_space<vmem>>)
      tpu.yield
    }) : () -> ()
    "tpu.region"() ({
      %run_scoped3A = tpu.sem_alloc : memref<!tpu.dma_semaphore, #tpu.memory_space<semaphore_mem>>
      %dma_start3A = arith.constant 0 : i32
      %dma_start3A_47 = arith.constant 0 : i32
      %dma_start3A_48 = tpu.memref_slice %arg8[%dma_start3A, %dma_start3A_47] : memref<128x128xf32, #tpu.memory_space<vmem>> -> memref<128x128xf32, #tpu.memory_space<vmem>>
      %dma_start3A_49 = arith.constant 0 : i32
      %dma_start3A_50 = tpu.memref_slice %arg9[%add3A_12, %dma_start3A_49] : memref<10112x128xf32, #tpu.memory_space<vmem_shared>> -> memref<128x128xf32, #tpu.memory_space<vmem_shared>>
      %dma_start3A_51 = arith.constant 0 : i32
      %dma_start3A_52 = tpu.memref_slice %arg9[%add3A_12, %dma_start3A_51] : memref<10112x128xf32, #tpu.memory_space<vmem_shared>> -> memref<128x128xf32, #tpu.memory_space<vmem_shared>>
      %dma_start3A_53 = arith.constant 0 : i32
      %dma_start3A_54 = arith.constant 0 : i32
      %dma_start3A_55 = tpu.memref_slice %arg8[%dma_start3A_53, %dma_start3A_54] : memref<128x128xf32, #tpu.memory_space<vmem>> -> memref<128x128xf32, #tpu.memory_space<vmem>>
      tpu.enqueue_dma source(%dma_start3A_55 : memref<128x128xf32, #tpu.memory_space<vmem>>) target(%dma_start3A_52 : memref<128x128xf32, #tpu.memory_space<vmem_shared>>) target_semaphore(%run_scoped3A : memref<!tpu.dma_semaphore, #tpu.memory_space<semaphore_mem>>)
      %dma_wait3A = arith.constant 0 : i32
      %dma_wait3A_56 = arith.constant 0 : i32
      %dma_wait3A_57 = tpu.memref_slice %arg8[%dma_wait3A, %dma_wait3A_56] : memref<128x128xf32, #tpu.memory_space<vmem>> -> memref<128x128xf32, #tpu.memory_space<vmem>>
      %dma_wait3A_58 = arith.constant 0 : i32
      %dma_wait3A_59 = tpu.memref_slice %arg9[%add3A_12, %dma_wait3A_58] : memref<10112x128xf32, #tpu.memory_space<vmem_shared>> -> memref<128x128xf32, #tpu.memory_space<vmem_shared>>
      %dma_wait3A_60 = arith.constant 0 : i32
      %dma_wait3A_61 = tpu.memref_slice %arg9[%add3A_12, %dma_wait3A_60] : memref<10112x128xf32, #tpu.memory_space<vmem_shared>> -> memref<128x128xf32, #tpu.memory_space<vmem_shared>>
      %dma_wait3A_62 = arith.constant 0 : i32
      %dma_wait3A_63 = arith.constant 0 : i32
      %dma_wait3A_64 = tpu.memref_slice %arg8[%dma_wait3A_62, %dma_wait3A_63] : memref<128x128xf32, #tpu.memory_space<vmem>> -> memref<128x128xf32, #tpu.memory_space<vmem>>
      tpu.wait_dma2 semaphore(%run_scoped3A : memref<!tpu.dma_semaphore, #tpu.memory_space<semaphore_mem>>) src(%dma_wait3A_64 : memref<128x128xf32, #tpu.memory_space<vmem>>) dst(%dma_wait3A_61 : memref<128x128xf32, #tpu.memory_space<vmem_shared>>)
      tpu.yield
    }) : () -> ()
    %mul3A_13 = arith.constant 632 : i32
    %mul3A_14 = arith.muli %arg1, %mul3A_13 : i32
    %add3A_15 = arith.constant 384 : i32
    %add3A_16 = arith.addi %mul3A_14, %add3A_15 : i32
    "tpu.region"() ({
      %run_scoped3A = tpu.sem_alloc : memref<!tpu.dma_semaphore, #tpu.memory_space<semaphore_mem>>
      %dma_start3A = arith.constant 0 : i32
      %dma_start3A_47 = arith.constant 0 : i32
      %dma_start3A_48 = tpu.memref_slice %arg8[%dma_start3A, %dma_start3A_47] : memref<128x128xf32, #tpu.memory_space<vmem>> -> memref<128x128xf32, #tpu.memory_space<vmem>>
      %dma_start3A_49 = arith.constant 0 : i32
      %dma_start3A_50 = tpu.memref_slice %arg2[%add3A_16, %dma_start3A_49] : memref<10112x128xf32, #tpu.memory_space<hbm>> -> memref<128x128xf32, #tpu.memory_space<hbm>>
      %dma_start3A_51 = arith.constant 0 : i32
      %dma_start3A_52 = arith.constant 0 : i32
      %dma_start3A_53 = tpu.memref_slice %arg8[%dma_start3A_51, %dma_start3A_52] : memref<128x128xf32, #tpu.memory_space<vmem>> -> memref<128x128xf32, #tpu.memory_space<vmem>>
      %dma_start3A_54 = arith.constant 0 : i32
      %dma_start3A_55 = tpu.memref_slice %arg2[%add3A_16, %dma_start3A_54] : memref<10112x128xf32, #tpu.memory_space<hbm>> -> memref<128x128xf32, #tpu.memory_space<hbm>>
      tpu.enqueue_dma source(%dma_start3A_55 : memref<128x128xf32, #tpu.memory_space<hbm>>) target(%dma_start3A_53 : memref<128x128xf32, #tpu.memory_space<vmem>>) target_semaphore(%run_scoped3A : memref<!tpu.dma_semaphore, #tpu.memory_space<semaphore_mem>>)
      %dma_wait3A = arith.constant 0 : i32
      %dma_wait3A_56 = arith.constant 0 : i32
      %dma_wait3A_57 = tpu.memref_slice %arg8[%dma_wait3A, %dma_wait3A_56] : memref<128x128xf32, #tpu.memory_space<vmem>> -> memref<128x128xf32, #tpu.memory_space<vmem>>
      %dma_wait3A_58 = arith.constant 0 : i32
      %dma_wait3A_59 = tpu.memref_slice %arg2[%add3A_16, %dma_wait3A_58] : memref<10112x128xf32, #tpu.memory_space<hbm>> -> memref<128x128xf32, #tpu.memory_space<hbm>>
      %dma_wait3A_60 = arith.constant 0 : i32
      %dma_wait3A_61 = arith.constant 0 : i32
      %dma_wait3A_62 = tpu.memref_slice %arg8[%dma_wait3A_60, %dma_wait3A_61] : memref<128x128xf32, #tpu.memory_space<vmem>> -> memref<128x128xf32, #tpu.memory_space<vmem>>
      %dma_wait3A_63 = arith.constant 0 : i32
      %dma_wait3A_64 = tpu.memref_slice %arg2[%add3A_16, %dma_wait3A_63] : memref<10112x128xf32, #tpu.memory_space<hbm>> -> memref<128x128xf32, #tpu.memory_space<hbm>>
      tpu.wait_dma2 semaphore(%run_scoped3A : memref<!tpu.dma_semaphore, #tpu.memory_space<semaphore_mem>>) src(%dma_wait3A_64 : memref<128x128xf32, #tpu.memory_space<hbm>>) dst(%dma_wait3A_62 : memref<128x128xf32, #tpu.memory_space<vmem>>)
      tpu.yield
    }) : () -> ()
    "tpu.region"() ({
      %run_scoped3A = tpu.sem_alloc : memref<!tpu.dma_semaphore, #tpu.memory_space<semaphore_mem>>
      %dma_start3A = arith.constant 0 : i32
      %dma_start3A_47 = arith.constant 0 : i32
      %dma_start3A_48 = tpu.memref_slice %arg8[%dma_start3A, %dma_start3A_47] : memref<128x128xf32, #tpu.memory_space<vmem>> -> memref<128x128xf32, #tpu.memory_space<vmem>>
      %dma_start3A_49 = arith.constant 0 : i32
      %dma_start3A_50 = tpu.memref_slice %arg9[%add3A_16, %dma_start3A_49] : memref<10112x128xf32, #tpu.memory_space<vmem_shared>> -> memref<128x128xf32, #tpu.memory_space<vmem_shared>>
      %dma_start3A_51 = arith.constant 0 : i32
      %dma_start3A_52 = tpu.memref_slice %arg9[%add3A_16, %dma_start3A_51] : memref<10112x128xf32, #tpu.memory_space<vmem_shared>> -> memref<128x128xf32, #tpu.memory_space<vmem_shared>>
      %dma_start3A_53 = arith.constant 0 : i32
      %dma_start3A_54 = arith.constant 0 : i32
      %dma_start3A_55 = tpu.memref_slice %arg8[%dma_start3A_53, %dma_start3A_54] : memref<128x128xf32, #tpu.memory_space<vmem>> -> memref<128x128xf32, #tpu.memory_space<vmem>>
      tpu.enqueue_dma source(%dma_start3A_55 : memref<128x128xf32, #tpu.memory_space<vmem>>) target(%dma_start3A_52 : memref<128x128xf32, #tpu.memory_space<vmem_shared>>) target_semaphore(%run_scoped3A : memref<!tpu.dma_semaphore, #tpu.memory_space<semaphore_mem>>)
      %dma_wait3A = arith.constant 0 : i32
      %dma_wait3A_56 = arith.constant 0 : i32
      %dma_wait3A_57 = tpu.memref_slice %arg8[%dma_wait3A, %dma_wait3A_56] : memref<128x128xf32, #tpu.memory_space<vmem>> -> memref<128x128xf32, #tpu.memory_space<vmem>>
      %dma_wait3A_58 = arith.constant 0 : i32
      %dma_wait3A_59 = tpu.memref_slice %arg9[%add3A_16, %dma_wait3A_58] : memref<10112x128xf32, #tpu.memory_space<vmem_shared>> -> memref<128x128xf32, #tpu.memory_space<vmem_shared>>
      %dma_wait3A_60 = arith.constant 0 : i32
      %dma_wait3A_61 = tpu.memref_slice %arg9[%add3A_16, %dma_wait3A_60] : memref<10112x128xf32, #tpu.memory_space<vmem_shared>> -> memref<128x128xf32, #tpu.memory_space<vmem_shared>>
      %dma_wait3A_62 = arith.constant 0 : i32
      %dma_wait3A_63 = arith.constant 0 : i32
      %dma_wait3A_64 = tpu.memref_slice %arg8[%dma_wait3A_62, %dma_wait3A_63] : memref<128x128xf32, #tpu.memory_space<vmem>> -> memref<128x128xf32, #tpu.memory_space<vmem>>
      tpu.wait_dma2 semaphore(%run_scoped3A : memref<!tpu.dma_semaphore, #tpu.memory_space<semaphore_mem>>) src(%dma_wait3A_64 : memref<128x128xf32, #tpu.memory_space<vmem>>) dst(%dma_wait3A_61 : memref<128x128xf32, #tpu.memory_space<vmem_shared>>)
      tpu.yield
    }) : () -> ()
    %mul3A_17 = arith.constant 632 : i32
    %mul3A_18 = arith.muli %arg1, %mul3A_17 : i32
    %add3A_19 = arith.constant 512 : i32
    %add3A_20 = arith.addi %mul3A_18, %add3A_19 : i32
    "tpu.region"() ({
      %run_scoped3A = tpu.sem_alloc : memref<!tpu.dma_semaphore, #tpu.memory_space<semaphore_mem>>
      %dma_start3A = arith.constant 0 : i32
      %dma_start3A_47 = arith.constant 0 : i32
      %dma_start3A_48 = tpu.memref_slice %arg8[%dma_start3A, %dma_start3A_47] : memref<128x128xf32, #tpu.memory_space<vmem>> -> memref<120x128xf32, #tpu.memory_space<vmem>>
      %dma_start3A_49 = arith.constant 0 : i32
      %dma_start3A_50 = tpu.memref_slice %arg2[%add3A_20, %dma_start3A_49] : memref<10112x128xf32, #tpu.memory_space<hbm>> -> memref<120x128xf32, #tpu.memory_space<hbm>>
      %dma_start3A_51 = arith.constant 0 : i32
      %dma_start3A_52 = arith.constant 0 : i32
      %dma_start3A_53 = tpu.memref_slice %arg8[%dma_start3A_51, %dma_start3A_52] : memref<128x128xf32, #tpu.memory_space<vmem>> -> memref<120x128xf32, #tpu.memory_space<vmem>>
      %dma_start3A_54 = arith.constant 0 : i32
      %dma_start3A_55 = tpu.memref_slice %arg2[%add3A_20, %dma_start3A_54] : memref<10112x128xf32, #tpu.memory_space<hbm>> -> memref<120x128xf32, #tpu.memory_space<hbm>>
      tpu.enqueue_dma source(%dma_start3A_55 : memref<120x128xf32, #tpu.memory_space<hbm>>) target(%dma_start3A_53 : memref<120x128xf32, #tpu.memory_space<vmem>>) target_semaphore(%run_scoped3A : memref<!tpu.dma_semaphore, #tpu.memory_space<semaphore_mem>>)
      %dma_wait3A = arith.constant 0 : i32
      %dma_wait3A_56 = arith.constant 0 : i32
      %dma_wait3A_57 = tpu.memref_slice %arg8[%dma_wait3A, %dma_wait3A_56] : memref<128x128xf32, #tpu.memory_space<vmem>> -> memref<120x128xf32, #tpu.memory_space<vmem>>
      %dma_wait3A_58 = arith.constant 0 : i32
      %dma_wait3A_59 = tpu.memref_slice %arg2[%add3A_20, %dma_wait3A_58] : memref<10112x128xf32, #tpu.memory_space<hbm>> -> memref<120x128xf32, #tpu.memory_space<hbm>>
      %dma_wait3A_60 = arith.constant 0 : i32
      %dma_wait3A_61 = arith.constant 0 : i32
      %dma_wait3A_62 = tpu.memref_slice %arg8[%dma_wait3A_60, %dma_wait3A_61] : memref<128x128xf32, #tpu.memory_space<vmem>> -> memref<120x128xf32, #tpu.memory_space<vmem>>
      %dma_wait3A_63 = arith.constant 0 : i32
      %dma_wait3A_64 = tpu.memref_slice %arg2[%add3A_20, %dma_wait3A_63] : memref<10112x128xf32, #tpu.memory_space<hbm>> -> memref<120x128xf32, #tpu.memory_space<hbm>>
      tpu.wait_dma2 semaphore(%run_scoped3A : memref<!tpu.dma_semaphore, #tpu.memory_space<semaphore_mem>>) src(%dma_wait3A_64 : memref<120x128xf32, #tpu.memory_space<hbm>>) dst(%dma_wait3A_62 : memref<120x128xf32, #tpu.memory_space<vmem>>)
      tpu.yield
    }) : () -> ()
    "tpu.region"() ({
      %run_scoped3A = tpu.sem_alloc : memref<!tpu.dma_semaphore, #tpu.memory_space<semaphore_mem>>
      %dma_start3A = arith.constant 0 : i32
      %dma_start3A_47 = arith.constant 0 : i32
      %dma_start3A_48 = tpu.memref_slice %arg8[%dma_start3A, %dma_start3A_47] : memref<128x128xf32, #tpu.memory_space<vmem>> -> memref<120x128xf32, #tpu.memory_space<vmem>>
      %dma_start3A_49 = arith.constant 0 : i32
      %dma_start3A_50 = tpu.memref_slice %arg9[%add3A_20, %dma_start3A_49] : memref<10112x128xf32, #tpu.memory_space<vmem_shared>> -> memref<120x128xf32, #tpu.memory_space<vmem_shared>>
      %dma_start3A_51 = arith.constant 0 : i32
      %dma_start3A_52 = tpu.memref_slice %arg9[%add3A_20, %dma_start3A_51] : memref<10112x128xf32, #tpu.memory_space<vmem_shared>> -> memref<120x128xf32, #tpu.memory_space<vmem_shared>>
      %dma_start3A_53 = arith.constant 0 : i32
      %dma_start3A_54 = arith.constant 0 : i32
      %dma_start3A_55 = tpu.memref_slice %arg8[%dma_start3A_53, %dma_start3A_54] : memref<128x128xf32, #tpu.memory_space<vmem>> -> memref<120x128xf32, #tpu.memory_space<vmem>>
      tpu.enqueue_dma source(%dma_start3A_55 : memref<120x128xf32, #tpu.memory_space<vmem>>) target(%dma_start3A_52 : memref<120x128xf32, #tpu.memory_space<vmem_shared>>) target_semaphore(%run_scoped3A : memref<!tpu.dma_semaphore, #tpu.memory_space<semaphore_mem>>)
      %dma_wait3A = arith.constant 0 : i32
      %dma_wait3A_56 = arith.constant 0 : i32
      %dma_wait3A_57 = tpu.memref_slice %arg8[%dma_wait3A, %dma_wait3A_56] : memref<128x128xf32, #tpu.memory_space<vmem>> -> memref<120x128xf32, #tpu.memory_space<vmem>>
      %dma_wait3A_58 = arith.constant 0 : i32
      %dma_wait3A_59 = tpu.memref_slice %arg9[%add3A_20, %dma_wait3A_58] : memref<10112x128xf32, #tpu.memory_space<vmem_shared>> -> memref<120x128xf32, #tpu.memory_space<vmem_shared>>
      %dma_wait3A_60 = arith.constant 0 : i32
      %dma_wait3A_61 = tpu.memref_slice %arg9[%add3A_20, %dma_wait3A_60] : memref<10112x128xf32, #tpu.memory_space<vmem_shared>> -> memref<120x128xf32, #tpu.memory_space<vmem_shared>>
      %dma_wait3A_62 = arith.constant 0 : i32
      %dma_wait3A_63 = arith.constant 0 : i32
      %dma_wait3A_64 = tpu.memref_slice %arg8[%dma_wait3A_62, %dma_wait3A_63] : memref<128x128xf32, #tpu.memory_space<vmem>> -> memref<120x128xf32, #tpu.memory_space<vmem>>
      tpu.wait_dma2 semaphore(%run_scoped3A : memref<!tpu.dma_semaphore, #tpu.memory_space<semaphore_mem>>) src(%dma_wait3A_64 : memref<120x128xf32, #tpu.memory_space<vmem>>) dst(%dma_wait3A_61 : memref<120x128xf32, #tpu.memory_space<vmem_shared>>)
      tpu.yield
    }) : () -> ()
    "tpu.region"() ({
      %run_scoped3A = tpu.sem_alloc : memref<!tpu.dma_semaphore, #tpu.memory_space<semaphore_mem>>
      %dma_start3A = arith.constant 0 : i32
      %dma_start3A_47 = arith.constant 0 : i32
      %dma_start3A_48 = tpu.memref_slice %arg3[%add3A, %dma_start3A, %dma_start3A_47] : memref<32x79x128xi32, #tpu.memory_space<hbm>> -> memref<1x79x128xi32, #tpu.memory_space<hbm>>
      %dma_start3A_49 = tpu.memref_squeeze %dma_start3A_48 : memref<1x79x128xi32, #tpu.memory_space<hbm>> -> memref<79x128xi32, #tpu.memory_space<hbm>>
      %dma_start3A_50 = arith.constant 0 : i32
      %dma_start3A_51 = arith.constant 0 : i32
      %dma_start3A_52 = tpu.memref_slice %arg3[%add3A, %dma_start3A_50, %dma_start3A_51] : memref<32x79x128xi32, #tpu.memory_space<hbm>> -> memref<1x79x128xi32, #tpu.memory_space<hbm>>
      %dma_start3A_53 = tpu.memref_squeeze %dma_start3A_52 : memref<1x79x128xi32, #tpu.memory_space<hbm>> -> memref<79x128xi32, #tpu.memory_space<hbm>>
      tpu.enqueue_dma source(%dma_start3A_53 : memref<79x128xi32, #tpu.memory_space<hbm>>) target(%arg6 : memref<79x128xi32, #tpu.memory_space<vmem>>) target_semaphore(%run_scoped3A : memref<!tpu.dma_semaphore, #tpu.memory_space<semaphore_mem>>)
      %dma_wait3A = arith.constant 0 : i32
      %dma_wait3A_54 = arith.constant 0 : i32
      %dma_wait3A_55 = tpu.memref_slice %arg3[%add3A, %dma_wait3A, %dma_wait3A_54] : memref<32x79x128xi32, #tpu.memory_space<hbm>> -> memref<1x79x128xi32, #tpu.memory_space<hbm>>
      %dma_wait3A_56 = tpu.memref_squeeze %dma_wait3A_55 : memref<1x79x128xi32, #tpu.memory_space<hbm>> -> memref<79x128xi32, #tpu.memory_space<hbm>>
      %dma_wait3A_57 = arith.constant 0 : i32
      %dma_wait3A_58 = arith.constant 0 : i32
      %dma_wait3A_59 = tpu.memref_slice %arg3[%add3A, %dma_wait3A_57, %dma_wait3A_58] : memref<32x79x128xi32, #tpu.memory_space<hbm>> -> memref<1x79x128xi32, #tpu.memory_space<hbm>>
      %dma_wait3A_60 = tpu.memref_squeeze %dma_wait3A_59 : memref<1x79x128xi32, #tpu.memory_space<hbm>> -> memref<79x128xi32, #tpu.memory_space<hbm>>
      tpu.wait_dma2 semaphore(%run_scoped3A : memref<!tpu.dma_semaphore, #tpu.memory_space<semaphore_mem>>) src(%dma_wait3A_60 : memref<79x128xi32, #tpu.memory_space<hbm>>) dst(%arg6 : memref<79x128xi32, #tpu.memory_space<vmem>>)
      tpu.yield
    }) : () -> ()
    "tpu.region"() ({
      %run_scoped3A = tpu.sem_alloc : memref<!tpu.dma_semaphore, #tpu.memory_space<semaphore_mem>>
      %dma_start3A = arith.constant 0 : i32
      %dma_start3A_47 = arith.constant 0 : i32
      %dma_start3A_48 = tpu.memref_slice %arg4[%add3A, %dma_start3A, %dma_start3A_47] : memref<32x79x128xi32, #tpu.memory_space<hbm>> -> memref<1x79x128xi32, #tpu.memory_space<hbm>>
      %dma_start3A_49 = tpu.memref_squeeze %dma_start3A_48 : memref<1x79x128xi32, #tpu.memory_space<hbm>> -> memref<79x128xi32, #tpu.memory_space<hbm>>
      %dma_start3A_50 = arith.constant 0 : i32
      %dma_start3A_51 = arith.constant 0 : i32
      %dma_start3A_52 = tpu.memref_slice %arg4[%add3A, %dma_start3A_50, %dma_start3A_51] : memref<32x79x128xi32, #tpu.memory_space<hbm>> -> memref<1x79x128xi32, #tpu.memory_space<hbm>>
      %dma_start3A_53 = tpu.memref_squeeze %dma_start3A_52 : memref<1x79x128xi32, #tpu.memory_space<hbm>> -> memref<79x128xi32, #tpu.memory_space<hbm>>
      tpu.enqueue_dma source(%dma_start3A_53 : memref<79x128xi32, #tpu.memory_space<hbm>>) target(%arg7 : memref<79x128xi32, #tpu.memory_space<vmem>>) target_semaphore(%run_scoped3A : memref<!tpu.dma_semaphore, #tpu.memory_space<semaphore_mem>>)
      %dma_wait3A = arith.constant 0 : i32
      %dma_wait3A_54 = arith.constant 0 : i32
      %dma_wait3A_55 = tpu.memref_slice %arg4[%add3A, %dma_wait3A, %dma_wait3A_54] : memref<32x79x128xi32, #tpu.memory_space<hbm>> -> memref<1x79x128xi32, #tpu.memory_space<hbm>>
      %dma_wait3A_56 = tpu.memref_squeeze %dma_wait3A_55 : memref<1x79x128xi32, #tpu.memory_space<hbm>> -> memref<79x128xi32, #tpu.memory_space<hbm>>
      %dma_wait3A_57 = arith.constant 0 : i32
      %dma_wait3A_58 = arith.constant 0 : i32
      %dma_wait3A_59 = tpu.memref_slice %arg4[%add3A, %dma_wait3A_57, %dma_wait3A_58] : memref<32x79x128xi32, #tpu.memory_space<hbm>> -> memref<1x79x128xi32, #tpu.memory_space<hbm>>
      %dma_wait3A_60 = tpu.memref_squeeze %dma_wait3A_59 : memref<1x79x128xi32, #tpu.memory_space<hbm>> -> memref<79x128xi32, #tpu.memory_space<hbm>>
      tpu.wait_dma2 semaphore(%run_scoped3A : memref<!tpu.dma_semaphore, #tpu.memory_space<semaphore_mem>>) src(%dma_wait3A_60 : memref<79x128xi32, #tpu.memory_space<hbm>>) dst(%arg7 : memref<79x128xi32, #tpu.memory_space<vmem>>)
      tpu.yield
    }) : () -> ()
    %barrier3A = arith.constant 0 : index
    tpu.barrier barrier_id(%barrier3A)
    %scan3A = arith.constant 0 : i32
    %scan3A_21 = arith.constant 0 : i32
    %scan3A_22 = arith.constant 79 : i32
    %scan3A_23 = arith.addi %scan3A_21, %scan3A_22 : i32
    %scan3A_24 = arith.constant 1 : i32
    scf.for %scan3A_47 = %scan3A_21 to %scan3A_23 step %scan3A_24  : i32 {
      "tpu.region"() ({
        %run_scoped3A = tpu.sem_alloc : memref<!tpu.dma_semaphore, #tpu.memory_space<semaphore_mem>>
        %dma_start3A = arith.constant 0 : i32
        %dma_start3A_48 = tpu.memref_slice %arg6[%scan3A_47, %dma_start3A] : memref<79x128xi32, #tpu.memory_space<vmem>> -> memref<1x128xi32, #tpu.memory_space<vmem>>
        %dma_start3A_49 = tpu.memref_squeeze %dma_start3A_48 : memref<1x128xi32, #tpu.memory_space<vmem>> -> memref<128xi32, #tpu.memory_space<vmem>>
        %dma_start3A_50 = arith.constant 0 : i32
        %dma_start3A_51 = arith.constant 0 : i32
        %dma_start3A_52 = tpu.memref_slice %arg2[%dma_start3A_50, %dma_start3A_51] : memref<10112x128xf32, #tpu.memory_space<hbm>> -> memref<10112x128xf32, #tpu.memory_space<hbm>>
        tpu.enqueue_indirect_dma source(%dma_start3A_52 : memref<10112x128xf32, #tpu.memory_space<hbm>>) target(%arg8 : memref<128x128xf32, #tpu.memory_space<vmem>>) offsets(%dma_start3A_49 : memref<128xi32, #tpu.memory_space<vmem>>) semaphore(%run_scoped3A : memref<!tpu.dma_semaphore, #tpu.memory_space<semaphore_mem>>)
        %dma_wait3A = arith.constant 0 : i32
        %dma_wait3A_53 = tpu.memref_slice %arg6[%scan3A_47, %dma_wait3A] : memref<79x128xi32, #tpu.memory_space<vmem>> -> memref<1x128xi32, #tpu.memory_space<vmem>>
        %dma_wait3A_54 = tpu.memref_squeeze %dma_wait3A_53 : memref<1x128xi32, #tpu.memory_space<vmem>> -> memref<128xi32, #tpu.memory_space<vmem>>
        %dma_wait3A_55 = arith.constant 0 : i32
        %dma_wait3A_56 = arith.constant 0 : i32
        %dma_wait3A_57 = tpu.memref_slice %arg2[%dma_wait3A_55, %dma_wait3A_56] : memref<10112x128xf32, #tpu.memory_space<hbm>> -> memref<10112x128xf32, #tpu.memory_space<hbm>>
        tpu.wait_indirect_dma semaphore(%run_scoped3A : memref<!tpu.dma_semaphore, #tpu.memory_space<semaphore_mem>>) src(%dma_wait3A_57 : memref<10112x128xf32, #tpu.memory_space<hbm>>) dst(%arg8 : memref<128x128xf32, #tpu.memory_space<vmem>>)
        tpu.yield
      }) : () -> ()
      "tpu.region"() ({
        %run_scoped3A = tpu.sem_alloc : memref<!tpu.dma_semaphore, #tpu.memory_space<semaphore_mem>>
        %dma_start3A = arith.constant 0 : i32
        %dma_start3A_48 = tpu.memref_slice %arg7[%scan3A_47, %dma_start3A] : memref<79x128xi32, #tpu.memory_space<vmem>> -> memref<1x128xi32, #tpu.memory_space<vmem>>
        %dma_start3A_49 = tpu.memref_squeeze %dma_start3A_48 : memref<1x128xi32, #tpu.memory_space<vmem>> -> memref<128xi32, #tpu.memory_space<vmem>>
        %dma_start3A_50 = arith.constant 0 : i32
        %dma_start3A_51 = arith.constant 0 : i32
        %dma_start3A_52 = tpu.memref_slice %arg9[%dma_start3A_50, %dma_start3A_51] : memref<10112x128xf32, #tpu.memory_space<vmem_shared>> -> memref<10112x128xf32, #tpu.memory_space<vmem_shared>>
        tpu.enqueue_indirect_dma source(%arg8 : memref<128x128xf32, #tpu.memory_space<vmem>>) target(%dma_start3A_52 : memref<10112x128xf32, #tpu.memory_space<vmem_shared>>) offsets(%dma_start3A_49 : memref<128xi32, #tpu.memory_space<vmem>>) semaphore(%run_scoped3A : memref<!tpu.dma_semaphore, #tpu.memory_space<semaphore_mem>>) {add = true}
        %dma_wait3A = arith.constant 0 : i32
        %dma_wait3A_53 = tpu.memref_slice %arg7[%scan3A_47, %dma_wait3A] : memref<79x128xi32, #tpu.memory_space<vmem>> -> memref<1x128xi32, #tpu.memory_space<vmem>>
        %dma_wait3A_54 = tpu.memref_squeeze %dma_wait3A_53 : memref<1x128xi32, #tpu.memory_space<vmem>> -> memref<128xi32, #tpu.memory_space<vmem>>
        %dma_wait3A_55 = arith.constant 0 : i32
        %dma_wait3A_56 = arith.constant 0 : i32
        %dma_wait3A_57 = tpu.memref_slice %arg9[%dma_wait3A_55, %dma_wait3A_56] : memref<10112x128xf32, #tpu.memory_space<vmem_shared>> -> memref<10112x128xf32, #tpu.memory_space<vmem_shared>>
        tpu.wait_indirect_dma semaphore(%run_scoped3A : memref<!tpu.dma_semaphore, #tpu.memory_space<semaphore_mem>>) src(%arg8 : memref<128x128xf32, #tpu.memory_space<vmem>>) dst(%dma_wait3A_57 : memref<10112x128xf32, #tpu.memory_space<vmem_shared>>)
        tpu.yield
      }) : () -> ()
    }
    %scan3A_25 = arith.constant 79 : i32
    %barrier3A_26 = arith.constant 0 : index
    tpu.barrier barrier_id(%barrier3A_26)
    %mul3A_27 = arith.constant 632 : i32
    %mul3A_28 = arith.muli %arg1, %mul3A_27 : i32
    %add3A_29 = arith.constant 0 : i32
    %add3A_30 = arith.addi %mul3A_28, %add3A_29 : i32
    "tpu.region"() ({
      %run_scoped3A = tpu.sem_alloc : memref<!tpu.dma_semaphore, #tpu.memory_space<semaphore_mem>>
      %dma_start3A = arith.constant 0 : i32
      %dma_start3A_47 = arith.constant 0 : i32
      %dma_start3A_48 = tpu.memref_slice %arg8[%dma_start3A, %dma_start3A_47] : memref<128x128xf32, #tpu.memory_space<vmem>> -> memref<128x128xf32, #tpu.memory_space<vmem>>
      %dma_start3A_49 = arith.constant 0 : i32
      %dma_start3A_50 = tpu.memref_slice %arg9[%add3A_30, %dma_start3A_49] : memref<10112x128xf32, #tpu.memory_space<vmem_shared>> -> memref<128x128xf32, #tpu.memory_space<vmem_shared>>
      %dma_start3A_51 = arith.constant 0 : i32
      %dma_start3A_52 = arith.constant 0 : i32
      %dma_start3A_53 = tpu.memref_slice %arg8[%dma_start3A_51, %dma_start3A_52] : memref<128x128xf32, #tpu.memory_space<vmem>> -> memref<128x128xf32, #tpu.memory_space<vmem>>
      %dma_start3A_54 = arith.constant 0 : i32
      %dma_start3A_55 = tpu.memref_slice %arg9[%add3A_30, %dma_start3A_54] : memref<10112x128xf32, #tpu.memory_space<vmem_shared>> -> memref<128x128xf32, #tpu.memory_space<vmem_shared>>
      tpu.enqueue_dma source(%dma_start3A_55 : memref<128x128xf32, #tpu.memory_space<vmem_shared>>) target(%dma_start3A_53 : memref<128x128xf32, #tpu.memory_space<vmem>>) target_semaphore(%run_scoped3A : memref<!tpu.dma_semaphore, #tpu.memory_space<semaphore_mem>>)
      %dma_wait3A = arith.constant 0 : i32
      %dma_wait3A_56 = arith.constant 0 : i32
      %dma_wait3A_57 = tpu.memref_slice %arg8[%dma_wait3A, %dma_wait3A_56] : memref<128x128xf32, #tpu.memory_space<vmem>> -> memref<128x128xf32, #tpu.memory_space<vmem>>
      %dma_wait3A_58 = arith.constant 0 : i32
      %dma_wait3A_59 = tpu.memref_slice %arg9[%add3A_30, %dma_wait3A_58] : memref<10112x128xf32, #tpu.memory_space<vmem_shared>> -> memref<128x128xf32, #tpu.memory_space<vmem_shared>>
      %dma_wait3A_60 = arith.constant 0 : i32
      %dma_wait3A_61 = arith.constant 0 : i32
      %dma_wait3A_62 = tpu.memref_slice %arg8[%dma_wait3A_60, %dma_wait3A_61] : memref<128x128xf32, #tpu.memory_space<vmem>> -> memref<128x128xf32, #tpu.memory_space<vmem>>
      %dma_wait3A_63 = arith.constant 0 : i32
      %dma_wait3A_64 = tpu.memref_slice %arg9[%add3A_30, %dma_wait3A_63] : memref<10112x128xf32, #tpu.memory_space<vmem_shared>> -> memref<128x128xf32, #tpu.memory_space<vmem_shared>>
      tpu.wait_dma2 semaphore(%run_scoped3A : memref<!tpu.dma_semaphore, #tpu.memory_space<semaphore_mem>>) src(%dma_wait3A_64 : memref<128x128xf32, #tpu.memory_space<vmem_shared>>) dst(%dma_wait3A_62 : memref<128x128xf32, #tpu.memory_space<vmem>>)
      tpu.yield
    }) : () -> ()
    "tpu.region"() ({
      %run_scoped3A = tpu.sem_alloc : memref<!tpu.dma_semaphore, #tpu.memory_space<semaphore_mem>>
      %dma_start3A = arith.constant 0 : i32
      %dma_start3A_47 = arith.constant 0 : i32
      %dma_start3A_48 = tpu.memref_slice %arg8[%dma_start3A, %dma_start3A_47] : memref<128x128xf32, #tpu.memory_space<vmem>> -> memref<128x128xf32, #tpu.memory_space<vmem>>
      %dma_start3A_49 = arith.constant 0 : i32
      %dma_start3A_50 = tpu.memref_slice %arg5[%arg0, %add3A_30, %dma_start3A_49] : memref<2x10112x128xf32, #tpu.memory_space<hbm>> -> memref<1x128x128xf32, #tpu.memory_space<hbm>>
      %dma_start3A_51 = tpu.memref_squeeze %dma_start3A_50 : memref<1x128x128xf32, #tpu.memory_space<hbm>> -> memref<128x128xf32, #tpu.memory_space<hbm>>
      %dma_start3A_52 = arith.constant 0 : i32
      %dma_start3A_53 = tpu.memref_slice %arg5[%arg0, %add3A_30, %dma_start3A_52] : memref<2x10112x128xf32, #tpu.memory_space<hbm>> -> memref<1x128x128xf32, #tpu.memory_space<hbm>>
      %dma_start3A_54 = tpu.memref_squeeze %dma_start3A_53 : memref<1x128x128xf32, #tpu.memory_space<hbm>> -> memref<128x128xf32, #tpu.memory_space<hbm>>
      %dma_start3A_55 = arith.constant 0 : i32
      %dma_start3A_56 = arith.constant 0 : i32
      %dma_start3A_57 = tpu.memref_slice %arg8[%dma_start3A_55, %dma_start3A_56] : memref<128x128xf32, #tpu.memory_space<vmem>> -> memref<128x128xf32, #tpu.memory_space<vmem>>
      tpu.enqueue_dma source(%dma_start3A_57 : memref<128x128xf32, #tpu.memory_space<vmem>>) target(%dma_start3A_54 : memref<128x128xf32, #tpu.memory_space<hbm>>) target_semaphore(%run_scoped3A : memref<!tpu.dma_semaphore, #tpu.memory_space<semaphore_mem>>)
      %dma_wait3A = arith.constant 0 : i32
      %dma_wait3A_58 = arith.constant 0 : i32
      %dma_wait3A_59 = tpu.memref_slice %arg8[%dma_wait3A, %dma_wait3A_58] : memref<128x128xf32, #tpu.memory_space<vmem>> -> memref<128x128xf32, #tpu.memory_space<vmem>>
      %dma_wait3A_60 = arith.constant 0 : i32
      %dma_wait3A_61 = tpu.memref_slice %arg5[%arg0, %add3A_30, %dma_wait3A_60] : memref<2x10112x128xf32, #tpu.memory_space<hbm>> -> memref<1x128x128xf32, #tpu.memory_space<hbm>>
      %dma_wait3A_62 = tpu.memref_squeeze %dma_wait3A_61 : memref<1x128x128xf32, #tpu.memory_space<hbm>> -> memref<128x128xf32, #tpu.memory_space<hbm>>
      %dma_wait3A_63 = arith.constant 0 : i32
      %dma_wait3A_64 = tpu.memref_slice %arg5[%arg0, %add3A_30, %dma_wait3A_63] : memref<2x10112x128xf32, #tpu.memory_space<hbm>> -> memref<1x128x128xf32, #tpu.memory_space<hbm>>
      %dma_wait3A_65 = tpu.memref_squeeze %dma_wait3A_64 : memref<1x128x128xf32, #tpu.memory_space<hbm>> -> memref<128x128xf32, #tpu.memory_space<hbm>>
      %dma_wait3A_66 = arith.constant 0 : i32
      %dma_wait3A_67 = arith.constant 0 : i32
      %dma_wait3A_68 = tpu.memref_slice %arg8[%dma_wait3A_66, %dma_wait3A_67] : memref<128x128xf32, #tpu.memory_space<vmem>> -> memref<128x128xf32, #tpu.memory_space<vmem>>
      tpu.wait_dma2 semaphore(%run_scoped3A : memref<!tpu.dma_semaphore, #tpu.memory_space<semaphore_mem>>) src(%dma_wait3A_68 : memref<128x128xf32, #tpu.memory_space<vmem>>) dst(%dma_wait3A_65 : memref<128x128xf32, #tpu.memory_space<hbm>>)
      tpu.yield
    }) : () -> ()
    %mul3A_31 = arith.constant 632 : i32
    %mul3A_32 = arith.muli %arg1, %mul3A_31 : i32
    %add3A_33 = arith.constant 128 : i32
    %add3A_34 = arith.addi %mul3A_32, %add3A_33 : i32
    "tpu.region"() ({
      %run_scoped3A = tpu.sem_alloc : memref<!tpu.dma_semaphore, #tpu.memory_space<semaphore_mem>>
      %dma_start3A = arith.constant 0 : i32
      %dma_start3A_47 = arith.constant 0 : i32
      %dma_start3A_48 = tpu.memref_slice %arg8[%dma_start3A, %dma_start3A_47] : memref<128x128xf32, #tpu.memory_space<vmem>> -> memref<128x128xf32, #tpu.memory_space<vmem>>
      %dma_start3A_49 = arith.constant 0 : i32
      %dma_start3A_50 = tpu.memref_slice %arg9[%add3A_34, %dma_start3A_49] : memref<10112x128xf32, #tpu.memory_space<vmem_shared>> -> memref<128x128xf32, #tpu.memory_space<vmem_shared>>
      %dma_start3A_51 = arith.constant 0 : i32
      %dma_start3A_52 = arith.constant 0 : i32
      %dma_start3A_53 = tpu.memref_slice %arg8[%dma_start3A_51, %dma_start3A_52] : memref<128x128xf32, #tpu.memory_space<vmem>> -> memref<128x128xf32, #tpu.memory_space<vmem>>
      %dma_start3A_54 = arith.constant 0 : i32
      %dma_start3A_55 = tpu.memref_slice %arg9[%add3A_34, %dma_start3A_54] : memref<10112x128xf32, #tpu.memory_space<vmem_shared>> -> memref<128x128xf32, #tpu.memory_space<vmem_shared>>
      tpu.enqueue_dma source(%dma_start3A_55 : memref<128x128xf32, #tpu.memory_space<vmem_shared>>) target(%dma_start3A_53 : memref<128x128xf32, #tpu.memory_space<vmem>>) target_semaphore(%run_scoped3A : memref<!tpu.dma_semaphore, #tpu.memory_space<semaphore_mem>>)
      %dma_wait3A = arith.constant 0 : i32
      %dma_wait3A_56 = arith.constant 0 : i32
      %dma_wait3A_57 = tpu.memref_slice %arg8[%dma_wait3A, %dma_wait3A_56] : memref<128x128xf32, #tpu.memory_space<vmem>> -> memref<128x128xf32, #tpu.memory_space<vmem>>
      %dma_wait3A_58 = arith.constant 0 : i32
      %dma_wait3A_59 = tpu.memref_slice %arg9[%add3A_34, %dma_wait3A_58] : memref<10112x128xf32, #tpu.memory_space<vmem_shared>> -> memref<128x128xf32, #tpu.memory_space<vmem_shared>>
      %dma_wait3A_60 = arith.constant 0 : i32
      %dma_wait3A_61 = arith.constant 0 : i32
      %dma_wait3A_62 = tpu.memref_slice %arg8[%dma_wait3A_60, %dma_wait3A_61] : memref<128x128xf32, #tpu.memory_space<vmem>> -> memref<128x128xf32, #tpu.memory_space<vmem>>
      %dma_wait3A_63 = arith.constant 0 : i32
      %dma_wait3A_64 = tpu.memref_slice %arg9[%add3A_34, %dma_wait3A_63] : memref<10112x128xf32, #tpu.memory_space<vmem_shared>> -> memref<128x128xf32, #tpu.memory_space<vmem_shared>>
      tpu.wait_dma2 semaphore(%run_scoped3A : memref<!tpu.dma_semaphore, #tpu.memory_space<semaphore_mem>>) src(%dma_wait3A_64 : memref<128x128xf32, #tpu.memory_space<vmem_shared>>) dst(%dma_wait3A_62 : memref<128x128xf32, #tpu.memory_space<vmem>>)
      tpu.yield
    }) : () -> ()
    "tpu.region"() ({
      %run_scoped3A = tpu.sem_alloc : memref<!tpu.dma_semaphore, #tpu.memory_space<semaphore_mem>>
      %dma_start3A = arith.constant 0 : i32
      %dma_start3A_47 = arith.constant 0 : i32
      %dma_start3A_48 = tpu.memref_slice %arg8[%dma_start3A, %dma_start3A_47] : memref<128x128xf32, #tpu.memory_space<vmem>> -> memref<128x128xf32, #tpu.memory_space<vmem>>
      %dma_start3A_49 = arith.constant 0 : i32
      %dma_start3A_50 = tpu.memref_slice %arg5[%arg0, %add3A_34, %dma_start3A_49] : memref<2x10112x128xf32, #tpu.memory_space<hbm>> -> memref<1x128x128xf32, #tpu.memory_space<hbm>>
      %dma_start3A_51 = tpu.memref_squeeze %dma_start3A_50 : memref<1x128x128xf32, #tpu.memory_space<hbm>> -> memref<128x128xf32, #tpu.memory_space<hbm>>
      %dma_start3A_52 = arith.constant 0 : i32
      %dma_start3A_53 = tpu.memref_slice %arg5[%arg0, %add3A_34, %dma_start3A_52] : memref<2x10112x128xf32, #tpu.memory_space<hbm>> -> memref<1x128x128xf32, #tpu.memory_space<hbm>>
      %dma_start3A_54 = tpu.memref_squeeze %dma_start3A_53 : memref<1x128x128xf32, #tpu.memory_space<hbm>> -> memref<128x128xf32, #tpu.memory_space<hbm>>
      %dma_start3A_55 = arith.constant 0 : i32
      %dma_start3A_56 = arith.constant 0 : i32
      %dma_start3A_57 = tpu.memref_slice %arg8[%dma_start3A_55, %dma_start3A_56] : memref<128x128xf32, #tpu.memory_space<vmem>> -> memref<128x128xf32, #tpu.memory_space<vmem>>
      tpu.enqueue_dma source(%dma_start3A_57 : memref<128x128xf32, #tpu.memory_space<vmem>>) target(%dma_start3A_54 : memref<128x128xf32, #tpu.memory_space<hbm>>) target_semaphore(%run_scoped3A : memref<!tpu.dma_semaphore, #tpu.memory_space<semaphore_mem>>)
      %dma_wait3A = arith.constant 0 : i32
      %dma_wait3A_58 = arith.constant 0 : i32
      %dma_wait3A_59 = tpu.memref_slice %arg8[%dma_wait3A, %dma_wait3A_58] : memref<128x128xf32, #tpu.memory_space<vmem>> -> memref<128x128xf32, #tpu.memory_space<vmem>>
      %dma_wait3A_60 = arith.constant 0 : i32
      %dma_wait3A_61 = tpu.memref_slice %arg5[%arg0, %add3A_34, %dma_wait3A_60] : memref<2x10112x128xf32, #tpu.memory_space<hbm>> -> memref<1x128x128xf32, #tpu.memory_space<hbm>>
      %dma_wait3A_62 = tpu.memref_squeeze %dma_wait3A_61 : memref<1x128x128xf32, #tpu.memory_space<hbm>> -> memref<128x128xf32, #tpu.memory_space<hbm>>
      %dma_wait3A_63 = arith.constant 0 : i32
      %dma_wait3A_64 = tpu.memref_slice %arg5[%arg0, %add3A_34, %dma_wait3A_63] : memref<2x10112x128xf32, #tpu.memory_space<hbm>> -> memref<1x128x128xf32, #tpu.memory_space<hbm>>
      %dma_wait3A_65 = tpu.memref_squeeze %dma_wait3A_64 : memref<1x128x128xf32, #tpu.memory_space<hbm>> -> memref<128x128xf32, #tpu.memory_space<hbm>>
      %dma_wait3A_66 = arith.constant 0 : i32
      %dma_wait3A_67 = arith.constant 0 : i32
      %dma_wait3A_68 = tpu.memref_slice %arg8[%dma_wait3A_66, %dma_wait3A_67] : memref<128x128xf32, #tpu.memory_space<vmem>> -> memref<128x128xf32, #tpu.memory_space<vmem>>
      tpu.wait_dma2 semaphore(%run_scoped3A : memref<!tpu.dma_semaphore, #tpu.memory_space<semaphore_mem>>) src(%dma_wait3A_68 : memref<128x128xf32, #tpu.memory_space<vmem>>) dst(%dma_wait3A_65 : memref<128x128xf32, #tpu.memory_space<hbm>>)
      tpu.yield
    }) : () -> ()
    %mul3A_35 = arith.constant 632 : i32
    %mul3A_36 = arith.muli %arg1, %mul3A_35 : i32
    %add3A_37 = arith.constant 256 : i32
    %add3A_38 = arith.addi %mul3A_36, %add3A_37 : i32
    "tpu.region"() ({
      %run_scoped3A = tpu.sem_alloc : memref<!tpu.dma_semaphore, #tpu.memory_space<semaphore_mem>>
      %dma_start3A = arith.constant 0 : i32
      %dma_start3A_47 = arith.constant 0 : i32
      %dma_start3A_48 = tpu.memref_slice %arg8[%dma_start3A, %dma_start3A_47] : memref<128x128xf32, #tpu.memory_space<vmem>> -> memref<128x128xf32, #tpu.memory_space<vmem>>
      %dma_start3A_49 = arith.constant 0 : i32
      %dma_start3A_50 = tpu.memref_slice %arg9[%add3A_38, %dma_start3A_49] : memref<10112x128xf32, #tpu.memory_space<vmem_shared>> -> memref<128x128xf32, #tpu.memory_space<vmem_shared>>
      %dma_start3A_51 = arith.constant 0 : i32
      %dma_start3A_52 = arith.constant 0 : i32
      %dma_start3A_53 = tpu.memref_slice %arg8[%dma_start3A_51, %dma_start3A_52] : memref<128x128xf32, #tpu.memory_space<vmem>> -> memref<128x128xf32, #tpu.memory_space<vmem>>
      %dma_start3A_54 = arith.constant 0 : i32
      %dma_start3A_55 = tpu.memref_slice %arg9[%add3A_38, %dma_start3A_54] : memref<10112x128xf32, #tpu.memory_space<vmem_shared>> -> memref<128x128xf32, #tpu.memory_space<vmem_shared>>
      tpu.enqueue_dma source(%dma_start3A_55 : memref<128x128xf32, #tpu.memory_space<vmem_shared>>) target(%dma_start3A_53 : memref<128x128xf32, #tpu.memory_space<vmem>>) target_semaphore(%run_scoped3A : memref<!tpu.dma_semaphore, #tpu.memory_space<semaphore_mem>>)
      %dma_wait3A = arith.constant 0 : i32
      %dma_wait3A_56 = arith.constant 0 : i32
      %dma_wait3A_57 = tpu.memref_slice %arg8[%dma_wait3A, %dma_wait3A_56] : memref<128x128xf32, #tpu.memory_space<vmem>> -> memref<128x128xf32, #tpu.memory_space<vmem>>
      %dma_wait3A_58 = arith.constant 0 : i32
      %dma_wait3A_59 = tpu.memref_slice %arg9[%add3A_38, %dma_wait3A_58] : memref<10112x128xf32, #tpu.memory_space<vmem_shared>> -> memref<128x128xf32, #tpu.memory_space<vmem_shared>>
      %dma_wait3A_60 = arith.constant 0 : i32
      %dma_wait3A_61 = arith.constant 0 : i32
      %dma_wait3A_62 = tpu.memref_slice %arg8[%dma_wait3A_60, %dma_wait3A_61] : memref<128x128xf32, #tpu.memory_space<vmem>> -> memref<128x128xf32, #tpu.memory_space<vmem>>
      %dma_wait3A_63 = arith.constant 0 : i32
      %dma_wait3A_64 = tpu.memref_slice %arg9[%add3A_38, %dma_wait3A_63] : memref<10112x128xf32, #tpu.memory_space<vmem_shared>> -> memref<128x128xf32, #tpu.memory_space<vmem_shared>>
      tpu.wait_dma2 semaphore(%run_scoped3A : memref<!tpu.dma_semaphore, #tpu.memory_space<semaphore_mem>>) src(%dma_wait3A_64 : memref<128x128xf32, #tpu.memory_space<vmem_shared>>) dst(%dma_wait3A_62 : memref<128x128xf32, #tpu.memory_space<vmem>>)
      tpu.yield
    }) : () -> ()
    "tpu.region"() ({
      %run_scoped3A = tpu.sem_alloc : memref<!tpu.dma_semaphore, #tpu.memory_space<semaphore_mem>>
      %dma_start3A = arith.constant 0 : i32
      %dma_start3A_47 = arith.constant 0 : i32
      %dma_start3A_48 = tpu.memref_slice %arg8[%dma_start3A, %dma_start3A_47] : memref<128x128xf32, #tpu.memory_space<vmem>> -> memref<128x128xf32, #tpu.memory_space<vmem>>
      %dma_start3A_49 = arith.constant 0 : i32
      %dma_start3A_50 = tpu.memref_slice %arg5[%arg0, %add3A_38, %dma_start3A_49] : memref<2x10112x128xf32, #tpu.memory_space<hbm>> -> memref<1x128x128xf32, #tpu.memory_space<hbm>>
      %dma_start3A_51 = tpu.memref_squeeze %dma_start3A_50 : memref<1x128x128xf32, #tpu.memory_space<hbm>> -> memref<128x128xf32, #tpu.memory_space<hbm>>
      %dma_start3A_52 = arith.constant 0 : i32
      %dma_start3A_53 = tpu.memref_slice %arg5[%arg0, %add3A_38, %dma_start3A_52] : memref<2x10112x128xf32, #tpu.memory_space<hbm>> -> memref<1x128x128xf32, #tpu.memory_space<hbm>>
      %dma_start3A_54 = tpu.memref_squeeze %dma_start3A_53 : memref<1x128x128xf32, #tpu.memory_space<hbm>> -> memref<128x128xf32, #tpu.memory_space<hbm>>
      %dma_start3A_55 = arith.constant 0 : i32
      %dma_start3A_56 = arith.constant 0 : i32
      %dma_start3A_57 = tpu.memref_slice %arg8[%dma_start3A_55, %dma_start3A_56] : memref<128x128xf32, #tpu.memory_space<vmem>> -> memref<128x128xf32, #tpu.memory_space<vmem>>
      tpu.enqueue_dma source(%dma_start3A_57 : memref<128x128xf32, #tpu.memory_space<vmem>>) target(%dma_start3A_54 : memref<128x128xf32, #tpu.memory_space<hbm>>) target_semaphore(%run_scoped3A : memref<!tpu.dma_semaphore, #tpu.memory_space<semaphore_mem>>)
      %dma_wait3A = arith.constant 0 : i32
      %dma_wait3A_58 = arith.constant 0 : i32
      %dma_wait3A_59 = tpu.memref_slice %arg8[%dma_wait3A, %dma_wait3A_58] : memref<128x128xf32, #tpu.memory_space<vmem>> -> memref<128x128xf32, #tpu.memory_space<vmem>>
      %dma_wait3A_60 = arith.constant 0 : i32
      %dma_wait3A_61 = tpu.memref_slice %arg5[%arg0, %add3A_38, %dma_wait3A_60] : memref<2x10112x128xf32, #tpu.memory_space<hbm>> -> memref<1x128x128xf32, #tpu.memory_space<hbm>>
      %dma_wait3A_62 = tpu.memref_squeeze %dma_wait3A_61 : memref<1x128x128xf32, #tpu.memory_space<hbm>> -> memref<128x128xf32, #tpu.memory_space<hbm>>
      %dma_wait3A_63 = arith.constant 0 : i32
      %dma_wait3A_64 = tpu.memref_slice %arg5[%arg0, %add3A_38, %dma_wait3A_63] : memref<2x10112x128xf32, #tpu.memory_space<hbm>> -> memref<1x128x128xf32, #tpu.memory_space<hbm>>
      %dma_wait3A_65 = tpu.memref_squeeze %dma_wait3A_64 : memref<1x128x128xf32, #tpu.memory_space<hbm>> -> memref<128x128xf32, #tpu.memory_space<hbm>>
      %dma_wait3A_66 = arith.constant 0 : i32
      %dma_wait3A_67 = arith.constant 0 : i32
      %dma_wait3A_68 = tpu.memref_slice %arg8[%dma_wait3A_66, %dma_wait3A_67] : memref<128x128xf32, #tpu.memory_space<vmem>> -> memref<128x128xf32, #tpu.memory_space<vmem>>
      tpu.wait_dma2 semaphore(%run_scoped3A : memref<!tpu.dma_semaphore, #tpu.memory_space<semaphore_mem>>) src(%dma_wait3A_68 : memref<128x128xf32, #tpu.memory_space<vmem>>) dst(%dma_wait3A_65 : memref<128x128xf32, #tpu.memory_space<hbm>>)
      tpu.yield
    }) : () -> ()
    %mul3A_39 = arith.constant 632 : i32
    %mul3A_40 = arith.muli %arg1, %mul3A_39 : i32
    %add3A_41 = arith.constant 384 : i32
    %add3A_42 = arith.addi %mul3A_40, %add3A_41 : i32
    "tpu.region"() ({
      %run_scoped3A = tpu.sem_alloc : memref<!tpu.dma_semaphore, #tpu.memory_space<semaphore_mem>>
      %dma_start3A = arith.constant 0 : i32
      %dma_start3A_47 = arith.constant 0 : i32
      %dma_start3A_48 = tpu.memref_slice %arg8[%dma_start3A, %dma_start3A_47] : memref<128x128xf32, #tpu.memory_space<vmem>> -> memref<128x128xf32, #tpu.memory_space<vmem>>
      %dma_start3A_49 = arith.constant 0 : i32
      %dma_start3A_50 = tpu.memref_slice %arg9[%add3A_42, %dma_start3A_49] : memref<10112x128xf32, #tpu.memory_space<vmem_shared>> -> memref<128x128xf32, #tpu.memory_space<vmem_shared>>
      %dma_start3A_51 = arith.constant 0 : i32
      %dma_start3A_52 = arith.constant 0 : i32
      %dma_start3A_53 = tpu.memref_slice %arg8[%dma_start3A_51, %dma_start3A_52] : memref<128x128xf32, #tpu.memory_space<vmem>> -> memref<128x128xf32, #tpu.memory_space<vmem>>
      %dma_start3A_54 = arith.constant 0 : i32
      %dma_start3A_55 = tpu.memref_slice %arg9[%add3A_42, %dma_start3A_54] : memref<10112x128xf32, #tpu.memory_space<vmem_shared>> -> memref<128x128xf32, #tpu.memory_space<vmem_shared>>
      tpu.enqueue_dma source(%dma_start3A_55 : memref<128x128xf32, #tpu.memory_space<vmem_shared>>) target(%dma_start3A_53 : memref<128x128xf32, #tpu.memory_space<vmem>>) target_semaphore(%run_scoped3A : memref<!tpu.dma_semaphore, #tpu.memory_space<semaphore_mem>>)
      %dma_wait3A = arith.constant 0 : i32
      %dma_wait3A_56 = arith.constant 0 : i32
      %dma_wait3A_57 = tpu.memref_slice %arg8[%dma_wait3A, %dma_wait3A_56] : memref<128x128xf32, #tpu.memory_space<vmem>> -> memref<128x128xf32, #tpu.memory_space<vmem>>
      %dma_wait3A_58 = arith.constant 0 : i32
      %dma_wait3A_59 = tpu.memref_slice %arg9[%add3A_42, %dma_wait3A_58] : memref<10112x128xf32, #tpu.memory_space<vmem_shared>> -> memref<128x128xf32, #tpu.memory_space<vmem_shared>>
      %dma_wait3A_60 = arith.constant 0 : i32
      %dma_wait3A_61 = arith.constant 0 : i32
      %dma_wait3A_62 = tpu.memref_slice %arg8[%dma_wait3A_60, %dma_wait3A_61] : memref<128x128xf32, #tpu.memory_space<vmem>> -> memref<128x128xf32, #tpu.memory_space<vmem>>
      %dma_wait3A_63 = arith.constant 0 : i32
      %dma_wait3A_64 = tpu.memref_slice %arg9[%add3A_42, %dma_wait3A_63] : memref<10112x128xf32, #tpu.memory_space<vmem_shared>> -> memref<128x128xf32, #tpu.memory_space<vmem_shared>>
      tpu.wait_dma2 semaphore(%run_scoped3A : memref<!tpu.dma_semaphore, #tpu.memory_space<semaphore_mem>>) src(%dma_wait3A_64 : memref<128x128xf32, #tpu.memory_space<vmem_shared>>) dst(%dma_wait3A_62 : memref<128x128xf32, #tpu.memory_space<vmem>>)
      tpu.yield
    }) : () -> ()
    "tpu.region"() ({
      %run_scoped3A = tpu.sem_alloc : memref<!tpu.dma_semaphore, #tpu.memory_space<semaphore_mem>>
      %dma_start3A = arith.constant 0 : i32
      %dma_start3A_47 = arith.constant 0 : i32
      %dma_start3A_48 = tpu.memref_slice %arg8[%dma_start3A, %dma_start3A_47] : memref<128x128xf32, #tpu.memory_space<vmem>> -> memref<128x128xf32, #tpu.memory_space<vmem>>
      %dma_start3A_49 = arith.constant 0 : i32
      %dma_start3A_50 = tpu.memref_slice %arg5[%arg0, %add3A_42, %dma_start3A_49] : memref<2x10112x128xf32, #tpu.memory_space<hbm>> -> memref<1x128x128xf32, #tpu.memory_space<hbm>>
      %dma_start3A_51 = tpu.memref_squeeze %dma_start3A_50 : memref<1x128x128xf32, #tpu.memory_space<hbm>> -> memref<128x128xf32, #tpu.memory_space<hbm>>
      %dma_start3A_52 = arith.constant 0 : i32
      %dma_start3A_53 = tpu.memref_slice %arg5[%arg0, %add3A_42, %dma_start3A_52] : memref<2x10112x128xf32, #tpu.memory_space<hbm>> -> memref<1x128x128xf32, #tpu.memory_space<hbm>>
      %dma_start3A_54 = tpu.memref_squeeze %dma_start3A_53 : memref<1x128x128xf32, #tpu.memory_space<hbm>> -> memref<128x128xf32, #tpu.memory_space<hbm>>
      %dma_start3A_55 = arith.constant 0 : i32
      %dma_start3A_56 = arith.constant 0 : i32
      %dma_start3A_57 = tpu.memref_slice %arg8[%dma_start3A_55, %dma_start3A_56] : memref<128x128xf32, #tpu.memory_space<vmem>> -> memref<128x128xf32, #tpu.memory_space<vmem>>
      tpu.enqueue_dma source(%dma_start3A_57 : memref<128x128xf32, #tpu.memory_space<vmem>>) target(%dma_start3A_54 : memref<128x128xf32, #tpu.memory_space<hbm>>) target_semaphore(%run_scoped3A : memref<!tpu.dma_semaphore, #tpu.memory_space<semaphore_mem>>)
      %dma_wait3A = arith.constant 0 : i32
      %dma_wait3A_58 = arith.constant 0 : i32
      %dma_wait3A_59 = tpu.memref_slice %arg8[%dma_wait3A, %dma_wait3A_58] : memref<128x128xf32, #tpu.memory_space<vmem>> -> memref<128x128xf32, #tpu.memory_space<vmem>>
      %dma_wait3A_60 = arith.constant 0 : i32
      %dma_wait3A_61 = tpu.memref_slice %arg5[%arg0, %add3A_42, %dma_wait3A_60] : memref<2x10112x128xf32, #tpu.memory_space<hbm>> -> memref<1x128x128xf32, #tpu.memory_space<hbm>>
      %dma_wait3A_62 = tpu.memref_squeeze %dma_wait3A_61 : memref<1x128x128xf32, #tpu.memory_space<hbm>> -> memref<128x128xf32, #tpu.memory_space<hbm>>
      %dma_wait3A_63 = arith.constant 0 : i32
      %dma_wait3A_64 = tpu.memref_slice %arg5[%arg0, %add3A_42, %dma_wait3A_63] : memref<2x10112x128xf32, #tpu.memory_space<hbm>> -> memref<1x128x128xf32, #tpu.memory_space<hbm>>
      %dma_wait3A_65 = tpu.memref_squeeze %dma_wait3A_64 : memref<1x128x128xf32, #tpu.memory_space<hbm>> -> memref<128x128xf32, #tpu.memory_space<hbm>>
      %dma_wait3A_66 = arith.constant 0 : i32
      %dma_wait3A_67 = arith.constant 0 : i32
      %dma_wait3A_68 = tpu.memref_slice %arg8[%dma_wait3A_66, %dma_wait3A_67] : memref<128x128xf32, #tpu.memory_space<vmem>> -> memref<128x128xf32, #tpu.memory_space<vmem>>
      tpu.wait_dma2 semaphore(%run_scoped3A : memref<!tpu.dma_semaphore, #tpu.memory_space<semaphore_mem>>) src(%dma_wait3A_68 : memref<128x128xf32, #tpu.memory_space<vmem>>) dst(%dma_wait3A_65 : memref<128x128xf32, #tpu.memory_space<hbm>>)
      tpu.yield
    }) : () -> ()
    %mul3A_43 = arith.constant 632 : i32
    %mul3A_44 = arith.muli %arg1, %mul3A_43 : i32
    %add3A_45 = arith.constant 512 : i32
    %add3A_46 = arith.addi %mul3A_44, %add3A_45 : i32
    "tpu.region"() ({
      %run_scoped3A = tpu.sem_alloc : memref<!tpu.dma_semaphore, #tpu.memory_space<semaphore_mem>>
      %dma_start3A = arith.constant 0 : i32
      %dma_start3A_47 = arith.constant 0 : i32
      %dma_start3A_48 = tpu.memref_slice %arg8[%dma_start3A, %dma_start3A_47] : memref<128x128xf32, #tpu.memory_space<vmem>> -> memref<120x128xf32, #tpu.memory_space<vmem>>
      %dma_start3A_49 = arith.constant 0 : i32
      %dma_start3A_50 = tpu.memref_slice %arg9[%add3A_46, %dma_start3A_49] : memref<10112x128xf32, #tpu.memory_space<vmem_shared>> -> memref<120x128xf32, #tpu.memory_space<vmem_shared>>
      %dma_start3A_51 = arith.constant 0 : i32
      %dma_start3A_52 = arith.constant 0 : i32
      %dma_start3A_53 = tpu.memref_slice %arg8[%dma_start3A_51, %dma_start3A_52] : memref<128x128xf32, #tpu.memory_space<vmem>> -> memref<120x128xf32, #tpu.memory_space<vmem>>
      %dma_start3A_54 = arith.constant 0 : i32
      %dma_start3A_55 = tpu.memref_slice %arg9[%add3A_46, %dma_start3A_54] : memref<10112x128xf32, #tpu.memory_space<vmem_shared>> -> memref<120x128xf32, #tpu.memory_space<vmem_shared>>
      tpu.enqueue_dma source(%dma_start3A_55 : memref<120x128xf32, #tpu.memory_space<vmem_shared>>) target(%dma_start3A_53 : memref<120x128xf32, #tpu.memory_space<vmem>>) target_semaphore(%run_scoped3A : memref<!tpu.dma_semaphore, #tpu.memory_space<semaphore_mem>>)
      %dma_wait3A = arith.constant 0 : i32
      %dma_wait3A_56 = arith.constant 0 : i32
      %dma_wait3A_57 = tpu.memref_slice %arg8[%dma_wait3A, %dma_wait3A_56] : memref<128x128xf32, #tpu.memory_space<vmem>> -> memref<120x128xf32, #tpu.memory_space<vmem>>
      %dma_wait3A_58 = arith.constant 0 : i32
      %dma_wait3A_59 = tpu.memref_slice %arg9[%add3A_46, %dma_wait3A_58] : memref<10112x128xf32, #tpu.memory_space<vmem_shared>> -> memref<120x128xf32, #tpu.memory_space<vmem_shared>>
      %dma_wait3A_60 = arith.constant 0 : i32
      %dma_wait3A_61 = arith.constant 0 : i32
      %dma_wait3A_62 = tpu.memref_slice %arg8[%dma_wait3A_60, %dma_wait3A_61] : memref<128x128xf32, #tpu.memory_space<vmem>> -> memref<120x128xf32, #tpu.memory_space<vmem>>
      %dma_wait3A_63 = arith.constant 0 : i32
      %dma_wait3A_64 = tpu.memref_slice %arg9[%add3A_46, %dma_wait3A_63] : memref<10112x128xf32, #tpu.memory_space<vmem_shared>> -> memref<120x128xf32, #tpu.memory_space<vmem_shared>>
      tpu.wait_dma2 semaphore(%run_scoped3A : memref<!tpu.dma_semaphore, #tpu.memory_space<semaphore_mem>>) src(%dma_wait3A_64 : memref<120x128xf32, #tpu.memory_space<vmem_shared>>) dst(%dma_wait3A_62 : memref<120x128xf32, #tpu.memory_space<vmem>>)
      tpu.yield
    }) : () -> ()
    "tpu.region"() ({
      %run_scoped3A = tpu.sem_alloc : memref<!tpu.dma_semaphore, #tpu.memory_space<semaphore_mem>>
      %dma_start3A = arith.constant 0 : i32
      %dma_start3A_47 = arith.constant 0 : i32
      %dma_start3A_48 = tpu.memref_slice %arg8[%dma_start3A, %dma_start3A_47] : memref<128x128xf32, #tpu.memory_space<vmem>> -> memref<120x128xf32, #tpu.memory_space<vmem>>
      %dma_start3A_49 = arith.constant 0 : i32
      %dma_start3A_50 = tpu.memref_slice %arg5[%arg0, %add3A_46, %dma_start3A_49] : memref<2x10112x128xf32, #tpu.memory_space<hbm>> -> memref<1x120x128xf32, #tpu.memory_space<hbm>>
      %dma_start3A_51 = tpu.memref_squeeze %dma_start3A_50 : memref<1x120x128xf32, #tpu.memory_space<hbm>> -> memref<120x128xf32, #tpu.memory_space<hbm>>
      %dma_start3A_52 = arith.constant 0 : i32
      %dma_start3A_53 = tpu.memref_slice %arg5[%arg0, %add3A_46, %dma_start3A_52] : memref<2x10112x128xf32, #tpu.memory_space<hbm>> -> memref<1x120x128xf32, #tpu.memory_space<hbm>>
      %dma_start3A_54 = tpu.memref_squeeze %dma_start3A_53 : memref<1x120x128xf32, #tpu.memory_space<hbm>> -> memref<120x128xf32, #tpu.memory_space<hbm>>
      %dma_start3A_55 = arith.constant 0 : i32
      %dma_start3A_56 = arith.constant 0 : i32
      %dma_start3A_57 = tpu.memref_slice %arg8[%dma_start3A_55, %dma_start3A_56] : memref<128x128xf32, #tpu.memory_space<vmem>> -> memref<120x128xf32, #tpu.memory_space<vmem>>
      tpu.enqueue_dma source(%dma_start3A_57 : memref<120x128xf32, #tpu.memory_space<vmem>>) target(%dma_start3A_54 : memref<120x128xf32, #tpu.memory_space<hbm>>) target_semaphore(%run_scoped3A : memref<!tpu.dma_semaphore, #tpu.memory_space<semaphore_mem>>)
      %dma_wait3A = arith.constant 0 : i32
      %dma_wait3A_58 = arith.constant 0 : i32
      %dma_wait3A_59 = tpu.memref_slice %arg8[%dma_wait3A, %dma_wait3A_58] : memref<128x128xf32, #tpu.memory_space<vmem>> -> memref<120x128xf32, #tpu.memory_space<vmem>>
      %dma_wait3A_60 = arith.constant 0 : i32
      %dma_wait3A_61 = tpu.memref_slice %arg5[%arg0, %add3A_46, %dma_wait3A_60] : memref<2x10112x128xf32, #tpu.memory_space<hbm>> -> memref<1x120x128xf32, #tpu.memory_space<hbm>>
      %dma_wait3A_62 = tpu.memref_squeeze %dma_wait3A_61 : memref<1x120x128xf32, #tpu.memory_space<hbm>> -> memref<120x128xf32, #tpu.memory_space<hbm>>
      %dma_wait3A_63 = arith.constant 0 : i32
      %dma_wait3A_64 = tpu.memref_slice %arg5[%arg0, %add3A_46, %dma_wait3A_63] : memref<2x10112x128xf32, #tpu.memory_space<hbm>> -> memref<1x120x128xf32, #tpu.memory_space<hbm>>
      %dma_wait3A_65 = tpu.memref_squeeze %dma_wait3A_64 : memref<1x120x128xf32, #tpu.memory_space<hbm>> -> memref<120x128xf32, #tpu.memory_space<hbm>>
      %dma_wait3A_66 = arith.constant 0 : i32
      %dma_wait3A_67 = arith.constant 0 : i32
      %dma_wait3A_68 = tpu.memref_slice %arg8[%dma_wait3A_66, %dma_wait3A_67] : memref<128x128xf32, #tpu.memory_space<vmem>> -> memref<120x128xf32, #tpu.memory_space<vmem>>
      tpu.wait_dma2 semaphore(%run_scoped3A : memref<!tpu.dma_semaphore, #tpu.memory_space<semaphore_mem>>) src(%dma_wait3A_68 : memref<120x128xf32, #tpu.memory_space<vmem>>) dst(%dma_wait3A_65 : memref<120x128xf32, #tpu.memory_space<hbm>>)
      tpu.yield
    }) : () -> ()
    return
  }
}

module attributes {stable_mosaic.version = 14 : i64} {
  func.func @_scale_body(%arg0: i32, %arg1: memref<128x1xf32, #tpu.memory_space<vmem>>, %arg2: memref<128x128xf32, #tpu.memory_space<vmem>>, %arg3: memref<128x128xf32, #tpu.memory_space<vmem>>, %arg4: memref<128x1xf32, #tpu.memory_space<vmem>>) attributes {dimension_semantics = [#tpu.dimension_semantics<arbitrary>], iteration_bounds = array<i64: 79>, scalar_prefetch = 0 : i64, scratch_operands = 0 : i64, tpu.core_type = #tpu.core_type<tc>, window_params = [{transform_indices = @transform_0, window_bounds = array<i64: 128, 1>}, {transform_indices = @transform_1, window_bounds = array<i64: 128, 128>}, {transform_indices = @transform_2, window_bounds = array<i64: 128, 128>}, {transform_indices = @transform_3, window_bounds = array<i64: 128, 1>}]} {
    %get3A = arith.constant 0 : index
    %get3A_0 = arith.constant 0 : index
    %get3A_1 = vector.load %arg1[%get3A, %get3A_0] : memref<128x1xf32, #tpu.memory_space<vmem>>, vector<128x1xf32>
    %sub3A = arith.constant 1.000000e+00 : f32
    %sub3A_2 = vector.broadcast %sub3A : f32 to vector<128x1xf32>
    %sub3A_3 = arith.subf %get3A_1, %sub3A_2 : vector<128x1xf32>
    %rsqrt3A = math.rsqrt %sub3A_3 : vector<128x1xf32>
    %swap3A = arith.constant 0 : index
    %swap3A_4 = arith.constant 0 : index
    %swap3A_5 = vector.load %arg4[%swap3A, %swap3A_4] : memref<128x1xf32, #tpu.memory_space<vmem>>, vector<128x1xf32>
    tpu.vector_store %arg4[%swap3A, %swap3A_4], %rsqrt3A {strides = array<i32>} : memref<128x1xf32, #tpu.memory_space<vmem>>, vector<128x1xf32>,
    %get3A_6 = arith.constant 0 : index
    %get3A_7 = arith.constant 0 : index
    %get3A_8 = vector.load %arg2[%get3A_6, %get3A_7] : memref<128x128xf32, #tpu.memory_space<vmem>>, vector<128x128xf32>
    %mul3A = vector.broadcast %rsqrt3A : vector<128x1xf32> to vector<128x128xf32>
    %mul3A_9 = arith.mulf %mul3A, %get3A_8 : vector<128x128xf32>
    %swap3A_10 = arith.constant 0 : index
    %swap3A_11 = arith.constant 0 : index
    %swap3A_12 = vector.load %arg3[%swap3A_10, %swap3A_11] : memref<128x128xf32, #tpu.memory_space<vmem>>, vector<128x128xf32>
    tpu.vector_store %arg3[%swap3A_10, %swap3A_11], %mul3A_9 {strides = array<i32>} : memref<128x128xf32, #tpu.memory_space<vmem>>, vector<128x128xf32>,
    return
  }
  func.func @transform_0(%arg0: i32) -> (i32, i32) {
    %c0_i32 = arith.constant 0 : i32
    %c0_i32_0 = arith.constant 0 : i32
    return %arg0, %c0_i32 : i32, i32
  }
  func.func @transform_1(%arg0: i32) -> (i32, i32) {
    %c0_i32 = arith.constant 0 : i32
    %c0_i32_0 = arith.constant 0 : i32
    return %arg0, %c0_i32 : i32, i32
  }
  func.func @transform_2(%arg0: i32) -> (i32, i32) {
    %c0_i32 = arith.constant 0 : i32
    %c0_i32_0 = arith.constant 0 : i32
    return %arg0, %c0_i32 : i32, i32
  }
  func.func @transform_3(%arg0: i32) -> (i32, i32) {
    %c0_i32 = arith.constant 0 : i32
    %c0_i32_0 = arith.constant 0 : i32
    return %arg0, %c0_i32 : i32, i32
  }
}

module attributes {stable_mosaic.version = 14 : i64} {
  func.func @_final_body(%arg0: i32, %arg1: memref<128x1xf32, #tpu.memory_space<vmem>>, %arg2: memref<128x128xf32, #tpu.memory_space<vmem>>, %arg3: memref<128x128xf32, #tpu.memory_space<vmem>>, %arg4: memref<128x128xf32, #tpu.memory_space<vmem>>, %arg5: memref<128x128xf32, #tpu.memory_space<vmem>>, %arg6: memref<1x128xf32, #tpu.memory_space<vmem>>, %arg7: memref<128x128xf32, #tpu.memory_space<vmem>>) attributes {dimension_semantics = [#tpu.dimension_semantics<arbitrary>], iteration_bounds = array<i64: 79>, scalar_prefetch = 0 : i64, scratch_operands = 0 : i64, tpu.core_type = #tpu.core_type<tc>, window_params = [{transform_indices = @transform_0, window_bounds = array<i64: 128, 1>}, {transform_indices = @transform_1, window_bounds = array<i64: 128, 128>}, {transform_indices = @transform_2, window_bounds = array<i64: 128, 128>}, {transform_indices = @transform_3, window_bounds = array<i64: 128, 128>}, {pipeline_mode = #tpu.pipeline_mode<synchronous>, transform_indices = @transform_4, window_bounds = array<i64: 128, 128>}, {pipeline_mode = #tpu.pipeline_mode<synchronous>, transform_indices = @transform_5, window_bounds = array<i64: 1, 128>}, {transform_indices = @transform_6, window_bounds = array<i64: 128, 128>}]} {
    %get3A = arith.constant 0 : index
    %get3A_0 = arith.constant 0 : index
    %get3A_1 = vector.load %arg1[%get3A, %get3A_0] : memref<128x1xf32, #tpu.memory_space<vmem>>, vector<128x1xf32>
    %get3A_2 = arith.constant 0 : index
    %get3A_3 = arith.constant 0 : index
    %get3A_4 = vector.load %arg3[%get3A_2, %get3A_3] : memref<128x128xf32, #tpu.memory_space<vmem>>, vector<128x128xf32>
    %get3A_5 = arith.constant 0 : index
    %get3A_6 = arith.constant 0 : index
    %get3A_7 = vector.load %arg4[%get3A_5, %get3A_6] : memref<128x128xf32, #tpu.memory_space<vmem>>, vector<128x128xf32>
    %add3A = arith.addf %get3A_4, %get3A_7 : vector<128x128xf32>
    %get3A_8 = arith.constant 0 : index
    %get3A_9 = arith.constant 0 : index
    %get3A_10 = vector.load %arg2[%get3A_8, %get3A_9] : memref<128x128xf32, #tpu.memory_space<vmem>>, vector<128x128xf32>
    %sub3A = arith.subf %add3A, %get3A_10 : vector<128x128xf32>
    %mul3A = vector.broadcast %get3A_1 : vector<128x1xf32> to vector<128x128xf32>
    %mul3A_11 = arith.mulf %mul3A, %sub3A : vector<128x128xf32>
    %get3A_12 = arith.constant 0 : index
    %get3A_13 = arith.constant 0 : index
    %get3A_14 = vector.load %arg5[%get3A_12, %get3A_13] : memref<128x128xf32, #tpu.memory_space<vmem>>, vector<128x128xf32>
    %dot_general3A = arith.constant dense<0.000000e+00> : vector<128x128xf32>
    %dot_general3A_15 = tpu.matmul %mul3A_11, %get3A_14, %dot_general3A {dimension_numbers = #tpu.dot_dimension_numbers<[1], [0], [0], [1], [0, 0, 1, 1], [], []>, transpose_lhs_hint = false} : vector<128x128xf32>, vector<128x128xf32>, vector<128x128xf32> -> vector<128x128xf32>
    %get3A_16 = arith.constant 0 : index
    %get3A_17 = arith.constant 0 : index
    %get3A_18 = vector.load %arg6[%get3A_16, %get3A_17] : memref<1x128xf32, #tpu.memory_space<vmem>>, vector<1x128xf32>
    %add3A_19 = vector.broadcast %get3A_18 : vector<1x128xf32> to vector<128x128xf32>
    %add3A_20 = arith.addf %dot_general3A_15, %add3A_19 : vector<128x128xf32>
    %swap3A = arith.constant 0 : index
    %swap3A_21 = arith.constant 0 : index
    %swap3A_22 = vector.load %arg7[%swap3A, %swap3A_21] : memref<128x128xf32, #tpu.memory_space<vmem>>, vector<128x128xf32>
    tpu.vector_store %arg7[%swap3A, %swap3A_21], %add3A_20 {strides = array<i32>} : memref<128x128xf32, #tpu.memory_space<vmem>>, vector<128x128xf32>,
    return
  }
  func.func @transform_0(%arg0: i32) -> (i32, i32) {
    %c0_i32 = arith.constant 0 : i32
    %c0_i32_0 = arith.constant 0 : i32
    return %arg0, %c0_i32 : i32, i32
  }
  func.func @transform_1(%arg0: i32) -> (i32, i32) {
    %c0_i32 = arith.constant 0 : i32
    %c0_i32_0 = arith.constant 0 : i32
    return %arg0, %c0_i32 : i32, i32
  }
  func.func @transform_2(%arg0: i32) -> (i32, i32) {
    %c0_i32 = arith.constant 0 : i32
    %c0_i32_0 = arith.constant 0 : i32
    return %arg0, %c0_i32 : i32, i32
  }
  func.func @transform_3(%arg0: i32) -> (i32, i32) {
    %c0_i32 = arith.constant 0 : i32
    %c0_i32_0 = arith.constant 0 : i32
    return %arg0, %c0_i32 : i32, i32
  }
  func.func @transform_4(%arg0: i32) -> (i32, i32) {
    %c0_i32 = arith.constant 0 : i32
    %c0_i32_0 = arith.constant 0 : i32
    %c0_i32_1 = arith.constant 0 : i32
    return %c0_i32, %c0_i32_0 : i32, i32
  }
  func.func @transform_5(%arg0: i32) -> (i32, i32) {
    %c0_i32 = arith.constant 0 : i32
    %c0_i32_0 = arith.constant 0 : i32
    %c0_i32_1 = arith.constant 0 : i32
    return %c0_i32, %c0_i32_0 : i32, i32
  }
  func.func @transform_6(%arg0: i32) -> (i32, i32) {
    %c0_i32 = arith.constant 0 : i32
    %c0_i32_0 = arith.constant 0 : i32
    return %arg0, %c0_i32 : i32, i32
  }
}

</mosaic_0001>

<sc_bundles>
// kernel: kernel.6.cloned.1.call-start
scs
__scs_entry_jumppad:
0x0: {  	(pc) =	sbr.rel $0x88, $3  }
0x1: {  	(tag) =	ssettag $0x0;
	lr =	simm.s32 $0x1  }
0x2: {  	[smem:$0x3F9D] =	sst lr;
	_ =	strace $0xD0000000  }
0x3: {  	_ = 	snop  }
0x4: {  	_ = 	snop  }
0x5: {  	_ = 	snop  }
0x6: {  	_ = 	snop  }
0x7: {  	_ = 	snop  }
__scs_overlays_trampoline_lowered:
0x8: {  	[smem:$0x3FAC] =	sst s0  }
0x9: {  	[smem:$0x3FAD] =	sst s1  }
0xa: {  	[smem:$0x3FAE] =	sst s2  }
0xb: {  	[smem:$0x3FAF] =	sst s3  }
0xc: {  	[smem:$0x3FB0] =	sst s4  }
0xd: {  	[smem:$0x3FB1] =	sst s5  }
0xe: {  	[smem:$0x3FB2] =	sst s6  }
0xf: {  	[smem:$0x3FB3] =	sst s7  }
0x10: {  	[smem:$0x3FB4] =	sst s8  }
0x11: {  	[smem:$0x3FB5] =	sst s9;
	s0 =	simm.s32 @!p0 $0x0  }
0x12: {  	s1 =	sld [smem:$0x3F9B];
	s0 =	simm.s32 @p0 $0x1  }
0x13: {  	[smem:$0x3FB6] =	sst s0;
	s0 =	simm.s32 @!p1 $0x0  }
0x14: {  	s2 =	sld [smem:$0x3F9A];
	s0 =	simm.s32 @p1 $0x1  }
0x15: {  	[smem:$0x3FB7] =	sst s0;
	s0 =	simm.s32 @!p2 $0x0  }
0x16: {  	s3 =	sld [smem:$0x3FDB];
	s0 =	simm.s32 @p2 $0x1  }
0x17: {  	s4 =	simm.s32 $0x1BF5;
	[smem:$0x3FB9] =	sst s0  }
0x18: {  	s0 =	sld [smem:$0x3F9C];
	_ =	swait.ge [sflag:s4], $0x0  }
0x19: {  	s7 =	sld [smem:$0x3F9D]  }
0x1a: {  	s8 =	sadd.s32 $0xFFFFE003, lr  }
0x1b: {  	s9 =	sadd.s32 $0xFFFFFEF7, lr;
	s5 =	simm.s32 $0xFFFFFFFF;
	p2 =	slt.u32 s8, $0xFFFFF086  }
0x1c: {  	p1 =	slt.u32 s9, $0xF7A;
	s5 =	simm.s32 @!p2 $0x0  }
0x1d: {  	s5 =	simm.s32 @p1 $0x1;
	p0 =	seq.s32 s7, s2  }
0x1e: {  	s7 =	smul.u32 @!p0 $0xF7A, s2;
	p2 =	seq.s32 @!p0 s5, $0x0  }
0x1f: {  	s9 =	smul.u32 $0xF7A, s1;
	s8 =	simm.s32 @!p0 $0x1BF5;
	p2 =	por !p2, p0  }
0x20: {  	[sflag:s8] =	ssyncset.s32 @!p0 $0xFFFFF086;
	s6 =	sadd.s32 @!p0 s3, s7;
	s7 =	simm.s32 @!p0 $0x108  }
0x21: {  	s3 =	sadd.s32 s3, s9;
	s6 =	sadd.s32 @!p0 $0x88, s6;
	s7 =	simm.s32 @p2 $0x1082  }
0x22: {  	[simem:s7], [sflag:s8] =	dma.local @!p0 [hbm:s6], $0xF7A  }
0x23: {  	s9 =	sor.u32 $0xD0000000, s2;
	s6 =	simm.s32 $0x108;
	_ =	swait.ge @!p0 [sflag:s8], $0x0  }
0x24: {  	s3 =	sadd.s32 $0x88, s3;
	s6 =	simm.s32 @!p1 $0x1082;
	[sflag:s4] =	ssyncset.s32 $0xFFFFF086  }
0x25: {  	[simem:s6], [sflag:s4] =	dma.local [hbm:s3], $0xF7A  }
0x26: {  	[smem:$0x3F9D] =	sst s1;
	(tag) =	ssettag s2;
	_ =	strace s9  }
0x27: {  	s1 =	sld [smem:$0x3FAD]  }
0x28: {  	s2 =	sld [smem:$0x3FAE]  }
0x29: {  	s4 =	sld [smem:$0x3FB0]  }
0x2a: {  	p0 =	seq.s32 s5, $0x0;
	s5 =	sld [smem:$0x3FB1]  }
0x2b: {  	s6 =	sld [smem:$0x3FB2]  }
0x2c: {  	s7 =	sld [smem:$0x3FB3]  }
0x2d: {  	s3 =	simm.s32 $0x108;
	s8 =	sld [smem:$0x3FB4]  }
0x2e: {  	s3 =	simm.s32 @!p0 $0x1082;
	s9 =	sld [smem:$0x3FB5]  }
0x2f: {  	lr =	sadd.s32 s0, s3;
	s0 =	sld [smem:$0x3FAC]  }
0x30: {  	s3 =	sld [smem:$0x3FAF]  }
0x31: {  	[smem:$0x3FB8] =	sst s10  }
0x32: {  	s10 =	sld [smem:$0x3FB6];
	_ =	sdelay $0x3  }
0x33: {  	p0 =	seq.s32 s10, $0x1;
	s10 =	sld [smem:$0x3FB8];
	_ =	sdelay $0x3  }
0x34: {  	[smem:$0x3FB8] =	sst s10  }
0x35: {  	s10 =	sld [smem:$0x3FB7];
	_ =	sdelay $0x3  }
0x36: {  	p1 =	seq.s32 s10, $0x1;
	s10 =	sld [smem:$0x3FB8];
	_ =	sdelay $0x3  }
0x37: {  	[smem:$0x3FB8] =	sst s10  }
0x38: {  	s10 =	sld [smem:$0x3FB9]  }
0x39: {  	_ = 	snop;
	(pc) =	sbr.ind lr, $3  }
0x3a: {  	_ = 	snop  }
0x3b: {  	_ = 	snop  }
0x3c: {  	p2 =	seq.s32 s10, $0x1;
	s10 =	sld [smem:$0x3FB8]  }
0x3d: {  	_ =	shalt  }
0x3e: {  	_ =	shalt  }
0x3f: {  	_ =	shalt  }
0x40: {  	_ =	shalt  }
0x41: {  	_ =	shalt  }
0x42: {  	_ =	shalt  }
0x43: {  	_ =	shalt  }
0x44: {  	_ =	shalt  }
0x45: {  	_ =	shalt  }
0x46: {  	_ =	shalt  }
0x47: {  	_ =	shalt  }
0x48: {  	_ =	shalt  }
0x49: {  	_ =	shalt  }
0x4a: {  	_ =	shalt  }
0x4b: {  	_ =	shalt  }
0x4c: {  	_ =	shalt  }
0x4d: {  	_ =	shalt  }
0x4e: {  	_ =	shalt  }
0x4f: {  	_ =	shalt  }
0x50: {  	_ =	shalt  }
0x51: {  	_ =	shalt  }
0x52: {  	_ =	shalt  }
0x53: {  	_ =	shalt  }
0x54: {  	_ =	shalt  }
0x55: {  	_ =	shalt  }
0x56: {  	_ =	shalt  }
0x57: {  	_ =	shalt  }
0x58: {  	_ =	shalt  }
0x59: {  	_ =	shalt  }
0x5a: {  	_ =	shalt  }
0x5b: {  	_ =	shalt  }
0x5c: {  	_ =	shalt  }
0x5d: {  	_ =	shalt  }
0x5e: {  	_ =	shalt  }
0x5f: {  	_ =	shalt  }
0x60: {  	_ =	shalt  }
0x61: {  	_ =	shalt  }
0x62: {  	_ =	shalt  }
0x63: {  	_ =	shalt  }
0x64: {  	_ =	shalt  }
0x65: {  	_ =	shalt  }
0x66: {  	_ =	shalt  }
0x67: {  	_ =	shalt  }
0x68: {  	_ =	shalt  }
0x69: {  	_ =	shalt  }
0x6a: {  	_ =	shalt  }
0x6b: {  	_ =	shalt  }
0x6c: {  	_ =	shalt  }
0x6d: {  	_ =	shalt  }
0x6e: {  	_ =	shalt  }
0x6f: {  	_ =	shalt  }
0x70: {  	_ =	shalt  }
0x71: {  	_ =	shalt  }
0x72: {  	_ =	shalt  }
0x73: {  	_ =	shalt  }
0x74: {  	_ =	shalt  }
0x75: {  	_ =	shalt  }
0x76: {  	_ =	shalt  }
0x77: {  	_ =	shalt  }
0x78: {  	_ =	shalt  }
0x79: {  	_ =	shalt  }
0x7a: {  	_ =	shalt  }
0x7b: {  	_ =	shalt  }
0x7c: {  	_ =	shalt  }
0x7d: {  	_ =	shalt  }
0x7e: {  	_ =	shalt  }
0x7f: {  	_ =	shalt  }
0x80: {  	_ =	shalt  }
0x81: {  	_ =	shalt  }
0x82: {  	_ =	shalt  }
0x83: {  	_ =	shalt  }
0x84: {  	_ =	shalt  }
0x85: {  	_ =	shalt  }
0x86: {  	_ =	shalt  }
0x87: {  	_ =	shalt  }
.Lfunc_end0:
.L_simem_size_0:
called_computation_lowered:
.L_overlay_start_0:
0x88: {  	s2 =	sld [smem:$0x3FD9]  }
0x89: {  	s3 =	sld [smem:$0x3FFE];
	_ =	sdelay $0x1  }
0x8a: {  	s1 =	srdreg.scid  }
0x8b: {  	s0 =	sand.u32 $0x1, s1  }
0x8c: {  	s17 =	sshll.u32 s0, $0xA;
	s2 =	sadd.s32 s3, s2  }
0x8d: {  	s2 =	sadd.s32 s2, s17  }
0x8e: {  	[smem:$0x3FC4] =	sst s2  }
0x8f: {  	_ = 	snop  }
0x90: {  	s2 =	sld [smem:$0x3FD0];
	(tm) =	ssettm $0x1  }
0x91: {  	s18 =	sld [smem:$0x3FFB];
	_ =	sdelay $0x3  }
0x92: {  	_ =	strace s18  }
0x93: {  	s3 =	sld [smem:$0x3FFC];
	_ =	sdelay $0x3  }
0x94: {  	_ =	strace s3  }
0x95: {  	s3 =	sld [smem:$0x3FFD];
	_ =	sdelay $0x3  }
0x96: {  	_ =	strace s3  }
0x97: {  	_ =	strace $0x8FFFFFFF  }
0x98: {  	s19 =	sld [smem:$0x3FDB];
	_ =	sdelay $0x1  }
0x99: {  	s4 =	simm.s32 $_scs_section_size  }
0x9a: {  	s5 =	simm.s32 $_size__tile_overlayer_lowered;
	s6 =	simm.s32 $_tile_overlayer_lowered  }
0x9b: {  	s22 =	simm.s32 $0x1BFF;
	s21 =	sshll.u32 s6, $0x1;
	s3 =	sadd.s32 s4, s19  }
0x9c: {  	s7 =	simm.s32 $0x0;
	s20 =	sshll.u32 s5, $0x1;
	s5 =	sadd.s32 s21, s3  }
0x9d: {  	[timem:s7], [sflag:s22] =	dma.local [hbm:s5], s20  }
0x9e: {  	_ =	swait.ge [sflag:s22], s20  }
0x9f: {  	s4 =	ssub.s32 $0x0, s20;
	[sflag:s22] =	ssyncset.done $0x0  }
0xa0: {  	[sflag:s22] =	ssyncadd.s32 s4;
	_ =	sdelay $0x1  }
0xa1: {  	s23 =	simm.s32 $0x1B8B  }
0xa2: {  	_ =	swait.ge [sflag:s23], $0x1  }
0xa3: {  	[sflag:s23] =	ssyncset.done $0x0  }
0xa4: {  	s25 =	simm.s32 $0x1B8E;
	s24 =	sld [smem:$0x3FFE];
	[sflag:s23] =	ssyncadd.s32 $0xFFFFFFFF  }
0xa5: {  	s26 =	simm.s32 $execute0_lowered;
	[smem:$0x3FD2] =	sst s25  }
0xa6: {  	s5 =	sshll.u32 s26, $0x1;
	_ =	strace $0x80000046;
	[dreg:$0x1] =	wrdreg $0xFFFFFFFF  }
0xa7: {  	s28 =	simm.s32 $_size_execute0_lowered;
	s3 =	sadd.s32 s3, s5;
	[dreg:$0x0] =	wrdreg $0x0  }
0xa8: {  	s5 =	sshll.u32 s28, $0x1;
	[dreg:$0x2] =	wrdreg s3  }
0xa9: {  	[dreg:$0x3] =	wrdreg s5  }
0xaa: {  	[dreg:$0x4] =	wrdreg $0xC0  }
0xab: {  	_ =	task [dreg:s7], $0x5FFFF  }
0xac: {  	[dreg:$0x1] =	wrdreg $0xFFFFFFFF  }
0xad: {  	[dreg:$0x0] =	wrdreg $0x60  }
0xae: {  	[dreg:$0x2] =	wrdreg s24  }
0xaf: {  	[dreg:$0x3] =	wrdreg s2  }
0xb0: {  	[dreg:$0x4] =	wrdreg $0x68000  }
0xb1: {  	[dreg:$0x5] =	wrdreg $0x9  }
0xb2: {  	_ =	task.clear_ibuf [dreg:s7], $0x6FFFF;
	_ =	strace $0x90000046  }
0xb3: {  	s29 =	simm.s32 $0x9;
	_ =	strace $0x80000048  }
0xb4: {  	_ =	swait.ge [sflag:s29], $0x1  }
0xb5: {  	[sflag:s29] =	ssyncadd.s32 $0xFFFFFFFF  }
0xb6: {  	_ =	strace $0x90000048  }
0xb7: {  	_ =	sfence  }
0xb8: {  	s30 =	sld [smem:$0x0];
	_ =	sdelay $0x2  }
0xb9: {  	s31 =	sshll.u32 s1, $0xD;
	s1 =	sshrl.u32 s1, $0x2  }
0xba: {  	s3 =	sand.u32 $0x4000, s31;
	s1 =	sadd.s32 s1, s30  }
0xbb: {  	s0 =	sor.u32 s3, s0;
	s1 =	sshll.u32 s1, $0x11  }
0xbc: {  	s0 =	sor.u32 s1, s0  }
0xbd: {  	s0 =	sadd.s32 $0x8F2B, s0  }
0xbe: {  	[sflag:s0] =	ssyncadd.remote.s32 $0x1  }
0xbf: {  	_ =	sfence.sel $0xFFFF  }
0xc0: {  	[dreg:$0x0] =	wrdreg $0xFFFFFFFF;
	(pc) =	sbr.abs _section_cstart, $3  }
0xc1: {  	[dreg:$0x1] =	wrdreg $0xFFFFFFFF  }
0xc2: {  	_ =	task.clear_ibuf [dreg:s7], $0x2FFFF;
	_ =	strace $0x9FFFFFFF  }
0xc3: {  	(tm) =	ssettm $0x7FFFFFFF  }
tec
execute0_lowered:
.L_overlay_start_1:
0x0: {  	(tag) =	ssettag $0x1  }
0x1: {  	s5 =	rddreg [dreg:$0x0]  }
0x2: {  	s15 =	rddreg [dreg:$0x1]  }
0x3: {  	s1 =	rddreg [dreg:$0x2]  }
0x4: {  	s0 =	rddreg [dreg:$0x3]  }
0x5: {  	s3 =	simm.s32 $0x0;
	s4 =	srdreg.scid;
	s2 =	stileid.u32  }
0x6: {  	s25 =	simm.s32 $0x0;
	[smem:$0x7FF] =	sst s3;
	s14 =	smul.u32 $0x13C00, s2  }
0x7: {  	s12 =	sand.u32 $0x1, s4;
	s4 =	sadd.s32 $0x1400, s5;
	s7 =	smul.u32 $0x4F000, s2  }
0x8: {  	s20 =	sadd.s32 $0x28C00, s5;
	s13 =	smul.u32 $0x278, s2;
	_ =	strace $0x80000047  }
0x9: {  	s6 =	ssub.s32 $0x2, s12;
	s28 =	sshll.u32 s12, $0x4;
	s22 =	smul.u32 $0x13C000, s12  }
0xa: {  	s26 =	sshrl.u32 s6, $0x1;
	s16 =	sor.u32 s2, s28;
	s29 =	sshrl.u32 s14, $0x3  }
0xb: {  	s30 =	sshrl.u32 s7, $0x2;
	s31 =	sadd.s32 $0x80, s13;
	s9 =	sadd.s32 $0x100, s13  }
0xc: {  	s11 =	sadd.s32 $0x180, s13;
	s13 =	sadd.s32 $0x200, s13;
	s21 =	ssub.s32 s6, s26  }
0xd: {  	s5 =	sadd.s32 s4, s29;
	s6 =	sadd.s32 s30, s1;
	s17 =	sshll.u32 s31, $0x7  }
0xe: {  	s7 =	sshll.u32 s31, $0x4;
	s10 =	sshll.u32 s9, $0x4;
	s18 =	sshll.u32 s9, $0x7  }
0xf: {  	s19 =	sshll.u32 s11, $0x7;
	s11 =	sshll.u32 s11, $0x4;
	s23 =	sshll.u32 s13, $0x7  }
0x10: {  	s13 =	sshll.u32 s13, $0x4;
	s16 =	smul.u32 $0x500, s16;
	s24 =	sadd.s32 s14, s22  }
0x11: {  	s7 =	sadd.s32 s4, s7;
	s8 =	sadd.s32 s17, s1;
	s9 =	sadd.s32 s4, s10  }
0x12: {  	s10 =	sadd.s32 s18, s1;
	s11 =	sadd.s32 s4, s11;
	s12 =	sadd.s32 s19, s1  }
0x13: {  	s13 =	sadd.s32 s4, s13;
	s14 =	sadd.s32 s23, s1;
	s24 =	sshrl.u32 s24, $0x3  }
0x14: {  	s17 =	sadd.s32 s22, s17;
	s18 =	sadd.s32 s22, s18;
	s19 =	sadd.s32 s22, s19  }
0x15: {  	s22 =	sadd.s32 s22, s23;
	s21 =	smax.u32 s21, $0x1;
	s23 =	simm.s32 $0x1  }
0x16: {  	s15 =	sadd.s32 s15, s16;
	s16 =	sadd.s32 s20, s24;
	s17 =	sshrl.u32 s17, $0x3  }
0x17: {  	s18 =	sshrl.u32 s18, $0x3;
	s19 =	sshrl.u32 s19, $0x3;
	s22 =	sshrl.u32 s22, $0x3  }
0x18: {  	s24 =	simm.s32 $0x80;
	s17 =	sadd.s32 s20, s17;
	s18 =	sadd.s32 s20, s18  }
0x19: {  	s19 =	sadd.s32 s20, s19;
	s20 =	sadd.s32 s20, s22;
	s22 =	simm.s32 $0x2800  }
.LBB2_1:
0x1a: {  	[tilespmem:s22], [sflag:$0x1] =	stream.linear.gather [hbm4b:s5+s3], $0x4000, $0x38;
	[tilespmem:$0x1A400] =	vst v63  }
0x1b: {  	_ =	swait.ge [sflag:s23], $0x4000  }
0x1c: {  	[sflag:s23] =	ssyncset.done $0x0  }
0x1d: {  	[sflag:s23] =	ssyncadd.s32 $0xFFFFC000  }
0x1e: {  	[spmem:s6] =	stream.linear.scatter [tilespmem:s22], [sflag:$0x1], $0x4000, $0x38;
	[tilespmem:$0x1A400] =	vst v63  }
0x1f: {  	_ =	swait.ge [sflag:s23], $0x4000  }
0x20: {  	[sflag:s23] =	ssyncset.done $0x0  }
0x21: {  	[sflag:s23] =	ssyncadd.s32 $0xFFFFC000  }
0x22: {  	[tilespmem:s22], [sflag:$0x1] =	stream.linear.gather [hbm4b:s7+s3], $0x4000, $0x38;
	[tilespmem:$0x1A400] =	vst v63  }
0x23: {  	_ =	swait.ge [sflag:s23], $0x4000  }
0x24: {  	[sflag:s23] =	ssyncset.done $0x0  }
0x25: {  	[sflag:s23] =	ssyncadd.s32 $0xFFFFC000  }
0x26: {  	[spmem:s8] =	stream.linear.scatter [tilespmem:s22], [sflag:$0x1], $0x4000, $0x38;
	[tilespmem:$0x1A400] =	vst v63  }
0x27: {  	_ =	swait.ge [sflag:s23], $0x4000  }
0x28: {  	[sflag:s23] =	ssyncset.done $0x0  }
0x29: {  	[sflag:s23] =	ssyncadd.s32 $0xFFFFC000  }
0x2a: {  	[tilespmem:s22], [sflag:$0x1] =	stream.linear.gather [hbm4b:s9+s3], $0x4000, $0x38;
	[tilespmem:$0x1A400] =	vst v63  }
0x2b: {  	_ =	swait.ge [sflag:s23], $0x4000  }
0x2c: {  	[sflag:s23] =	ssyncset.done $0x0  }
0x2d: {  	[sflag:s23] =	ssyncadd.s32 $0xFFFFC000  }
0x2e: {  	[spmem:s10] =	stream.linear.scatter [tilespmem:s22], [sflag:$0x1], $0x4000, $0x38;
	[tilespmem:$0x1A400] =	vst v63  }
0x2f: {  	_ =	swait.ge [sflag:s23], $0x4000  }
0x30: {  	[sflag:s23] =	ssyncset.done $0x0  }
0x31: {  	[sflag:s23] =	ssyncadd.s32 $0xFFFFC000  }
0x32: {  	[tilespmem:s22], [sflag:$0x1] =	stream.linear.gather [hbm4b:s11+s3], $0x4000, $0x38;
	[tilespmem:$0x1A400] =	vst v63  }
0x33: {  	_ =	swait.ge [sflag:s23], $0x4000  }
0x34: {  	[sflag:s23] =	ssyncset.done $0x0  }
0x35: {  	[sflag:s23] =	ssyncadd.s32 $0xFFFFC000  }
0x36: {  	[spmem:s12] =	stream.linear.scatter [tilespmem:s22], [sflag:$0x1], $0x4000, $0x38;
	[tilespmem:$0x1A400] =	vst v63  }
0x37: {  	_ =	swait.ge [sflag:s23], $0x4000  }
0x38: {  	[sflag:s23] =	ssyncset.done $0x0  }
0x39: {  	[sflag:s23] =	ssyncadd.s32 $0xFFFFC000  }
0x3a: {  	[tilespmem:s22], [sflag:$0x1] =	stream.linear.gather [hbm4b:s13+s3], $0x3C00, $0x38;
	[tilespmem:$0x1A400] =	vst v63  }
0x3b: {  	_ =	swait.ge [sflag:s23], $0x3C00  }
0x3c: {  	[sflag:s23] =	ssyncset.done $0x0  }
0x3d: {  	[sflag:s23] =	ssyncadd.s32 $0xFFFFC400  }
0x3e: {  	[spmem:s14] =	stream.linear.scatter [tilespmem:s22], [sflag:$0x1], $0x3C00, $0x38;
	[tilespmem:$0x1A400] =	vst v63  }
0x3f: {  	_ =	swait.ge [sflag:s23], $0x3C00  }
0x40: {  	[sflag:s23] =	ssyncset.done $0x0  }
0x41: {  	[sflag:s23] =	ssyncadd.s32 $0xFFFFC400  }
0x42: {  	[tilespmem:s22], [sflag:$0x1] =	stream.linear.gather [hbm4b:s4+s3], $0x4000, $0x38;
	[tilespmem:$0x1A400] =	vst v63  }
0x43: {  	_ =	swait.ge [sflag:s23], $0x4000  }
0x44: {  	[sflag:s23] =	ssyncset.done $0x0  }
0x45: {  	[sflag:s23] =	ssyncadd.s32 $0xFFFFC000  }
0x46: {  	[tilespmem:s3], [sflag:$0x1] =	stream.linear.gather [hbm4b:s15+s3], $0x2780, $0x38;
	[tilespmem:$0x1A400] =	vst v63  }
0x47: {  	_ =	swait.ge [sflag:s23], $0x2780  }
0x48: {  	[sflag:s23] =	ssyncset.done $0x0  }
0x49: {  	[sflag:s23] =	ssyncadd.s32 $0xFFFFD880  }
0x4a: {  	s26 =	simm.s32 $0x0;
	[bflag:$0x0] =	sbarrier.arrive $0xFFFF  }
0x4b: {  	[spmem:s1] =	stream.indirect.scatter.add.f32 [tilespmem:s22], [sflag:$0x1], $0x80, s26, s24, $0xb8;
	[tilespmem:$0x1A400] =	vst v63  }
0x4c: {  	_ =	swait.ge [sflag:s23], $0x4000  }
0x4d: {  	s26 =	simm.s32 $0x200;
	[sflag:s23] =	ssyncset.done $0x0  }
.LBB2_2:
0x4e: {  	s28 =	sshra.s32 s26, $0x2;
	[sflag:s23] =	ssyncadd.s32 $0xFFFFC000;
	p0 =	sne.s32 s26, $0x9C00  }
0x4f: {  	[spmem:s1] =	stream.indirect.scatter.add.f32 [tilespmem:s22], [sflag:$0x1], $0x80, s28, s24, $0xb8;
	[tilespmem:$0x1A400] =	vst v63  }
.Ltmp0:
0x50: {  	_ = 	snop;
	(pc) =	sbr.rel @p0 .LBB2_2-.Ltmp0, $4  }
0x51: {  	_ = 	snop  }
0x52: {  	s26 =	sadd.s32 $0x200, s26  }
0x53: {  	_ =	swait.ge [sflag:s23], $0x4000  }
0x54: {  	[sflag:s23] =	ssyncset.done $0x0  }
0x55: {  	[sflag:s23] =	ssyncadd.s32 $0xFFFFC000  }
0x56: {  	[bflag:$0x0] =	sbarrier.arrive $0xFFFF  }
0x57: {  	[tilespmem:s22], [sflag:$0x1] =	stream.linear.gather [spmem:s6], $0x4000, $0x38;
	[tilespmem:$0x1A400] =	vst v63  }
0x58: {  	_ =	swait.ge [sflag:s23], $0x4000  }
0x59: {  	[sflag:s23] =	ssyncset.done $0x0  }
0x5a: {  	[sflag:s23] =	ssyncadd.s32 $0xFFFFC000  }
0x5b: {  	[hbm4b:s16+s3] =	stream.linear.scatter [tilespmem:s22], [sflag:$0x1], $0x4000, $0x38;
	[tilespmem:$0x1A400] =	vst v63  }
0x5c: {  	_ =	swait.ge [sflag:s23], $0x4000  }
0x5d: {  	[sflag:s23] =	ssyncset.done $0x0  }
0x5e: {  	[sflag:s23] =	ssyncadd.s32 $0xFFFFC000  }
0x5f: {  	[tilespmem:s22], [sflag:$0x1] =	stream.linear.gather [spmem:s8], $0x4000, $0x38;
	[tilespmem:$0x1A400] =	vst v63  }
0x60: {  	_ =	swait.ge [sflag:s23], $0x4000  }
0x61: {  	[sflag:s23] =	ssyncset.done $0x0  }
0x62: {  	[sflag:s23] =	ssyncadd.s32 $0xFFFFC000  }
0x63: {  	[hbm4b:s17+s3] =	stream.linear.scatter [tilespmem:s22], [sflag:$0x1], $0x4000, $0x38;
	[tilespmem:$0x1A400] =	vst v63  }
0x64: {  	_ =	swait.ge [sflag:s23], $0x4000  }
0x65: {  	[sflag:s23] =	ssyncset.done $0x0  }
0x66: {  	[sflag:s23] =	ssyncadd.s32 $0xFFFFC000  }
0x67: {  	[tilespmem:s22], [sflag:$0x1] =	stream.linear.gather [spmem:s10], $0x4000, $0x38;
	[tilespmem:$0x1A400] =	vst v63  }
0x68: {  	_ =	swait.ge [sflag:s23], $0x4000  }
0x69: {  	[sflag:s23] =	ssyncset.done $0x0  }
0x6a: {  	[sflag:s23] =	ssyncadd.s32 $0xFFFFC000  }
0x6b: {  	[hbm4b:s18+s3] =	stream.linear.scatter [tilespmem:s22], [sflag:$0x1], $0x4000, $0x38;
	[tilespmem:$0x1A400] =	vst v63  }
0x6c: {  	_ =	swait.ge [sflag:s23], $0x4000  }
0x6d: {  	[sflag:s23] =	ssyncset.done $0x0  }
0x6e: {  	[sflag:s23] =	ssyncadd.s32 $0xFFFFC000  }
0x6f: {  	[tilespmem:s22], [sflag:$0x1] =	stream.linear.gather [spmem:s12], $0x4000, $0x38;
	[tilespmem:$0x1A400] =	vst v63  }
0x70: {  	_ =	swait.ge [sflag:s23], $0x4000  }
0x71: {  	[sflag:s23] =	ssyncset.done $0x0  }
0x72: {  	[sflag:s23] =	ssyncadd.s32 $0xFFFFC000  }
0x73: {  	[hbm4b:s19+s3] =	stream.linear.scatter [tilespmem:s22], [sflag:$0x1], $0x4000, $0x38;
	[tilespmem:$0x1A400] =	vst v63  }
0x74: {  	_ =	swait.ge [sflag:s23], $0x4000  }
0x75: {  	[sflag:s23] =	ssyncset.done $0x0  }
0x76: {  	[sflag:s23] =	ssyncadd.s32 $0xFFFFC000  }
0x77: {  	[tilespmem:s22], [sflag:$0x1] =	stream.linear.gather [spmem:s14], $0x3C00, $0x38;
	[tilespmem:$0x1A400] =	vst v63  }
0x78: {  	s25 =	sadd.s32 $0x1, s25;
	_ =	swait.ge [sflag:s23], $0x3C00  }
0x79: {  	p0 =	sne.s32 s25, s21;
	[sflag:s23] =	ssyncset.done $0x0  }
.Ltmp1:
0x7a: {  	[sflag:s23] =	ssyncadd.s32 $0xFFFFC400;
	(pc) =	sbr.rel @p0 .LBB2_1-.Ltmp1, $4  }
0x7b: {  	[hbm4b:s20+s3] =	stream.linear.scatter [tilespmem:s22], [sflag:$0x1], $0x3C00, $0x38;
	[tilespmem:$0x1A400] =	vst v63  }
0x7c: {  	_ =	swait.ge [sflag:s23], $0x3C00  }
0x7d: {  	[sflag:s23] =	ssyncset.done $0x0  }
0x7e: {  	[sflag:s23] =	ssyncadd.s32 $0xFFFFC400  }
0x7f: {  	_ =	sfence.sel $0x180000  }
0x80: {  	[bflag:$0x0] =	sbarrier.arrive $0xFFFF  }
0x81: {  	p0 =	sne.s32 s2, $0x0;
	_ =	strace $0x90000047  }
0x82: {  	s0 =	sadd.s32 @!p0 $0x100000, s0;
	[bflag:$0x2] =	sbarrier.arrive $0xFFFF  }
0x83: {  	[sflag:s0] =	ssyncadd.tile.s32 @!p0 $0x1;
	_ =	shalt  }
.Lfunc_end2:
_tile_overlayer_lowered:
.L_overlay_start_2:
0x84: {  	(tag) =	ssettag $0x2  }
0x85: {  	s0 =	rddreg [dreg:$0x0];
	s2 =	stileid.u32  }
0x86: {  	s1 =	rddreg [dreg:$0x1];
	p0 =	sne.s32 s2, $0x0  }
0x87: {  	s3 =	rddreg [dreg:$0x2];
	[bflag:$0x3] =	sbarrier.arrive $0xFFFF;
	s2 =	simm.s32 @!p0 $0x1C01  }
0x88: {  	[timem:s3], [sflag:s2] =	dma.local @!p0 [hbm:s0], s1  }
0x89: {  	s0 =	simm.s32 @!p0 $0x1  }
0x8a: {  	_ =	swait.ge @!p0 [sflag:s0], s1  }
0x8b: {  	s1 =	ssub.s32 @!p0 $0x0, s1;
	[sflag:s0] =	ssyncset.done @!p0 $0x0  }
0x8c: {  	[sflag:s0] =	ssyncadd.s32 @!p0 s1  }
0x8d: {  	[bflag:$0x3] =	sbarrier.arrive $0xFFFF  }
0x8e: {  	_ =	shalt  }

// kernel: kernel.9.cloned.1.call-start
scs
__scs_entry_jumppad:
0x0: {  	(pc) =	sbr.rel $0x88, $3  }
0x1: {  	(tag) =	ssettag $0x0;
	lr =	simm.s32 $0x1  }
0x2: {  	[smem:$0x3F9D] =	sst lr;
	_ =	strace $0xD0000000  }
0x3: {  	_ = 	snop  }
0x4: {  	_ = 	snop  }
0x5: {  	_ = 	snop  }
0x6: {  	_ = 	snop  }
0x7: {  	_ = 	snop  }
__scs_overlays_trampoline_lowered:
0x8: {  	[smem:$0x3FAC] =	sst s0  }
0x9: {  	[smem:$0x3FAD] =	sst s1  }
0xa: {  	[smem:$0x3FAE] =	sst s2  }
0xb: {  	[smem:$0x3FAF] =	sst s3  }
0xc: {  	[smem:$0x3FB0] =	sst s4  }
0xd: {  	[smem:$0x3FB1] =	sst s5  }
0xe: {  	[smem:$0x3FB2] =	sst s6  }
0xf: {  	[smem:$0x3FB3] =	sst s7  }
0x10: {  	[smem:$0x3FB4] =	sst s8  }
0x11: {  	[smem:$0x3FB5] =	sst s9;
	s0 =	simm.s32 @!p0 $0x0  }
0x12: {  	s1 =	sld [smem:$0x3F9B];
	s0 =	simm.s32 @p0 $0x1  }
0x13: {  	[smem:$0x3FB6] =	sst s0;
	s0 =	simm.s32 @!p1 $0x0  }
0x14: {  	s2 =	sld [smem:$0x3F9A];
	s0 =	simm.s32 @p1 $0x1  }
0x15: {  	[smem:$0x3FB7] =	sst s0;
	s0 =	simm.s32 @!p2 $0x0  }
0x16: {  	s3 =	sld [smem:$0x3FDB];
	s0 =	simm.s32 @p2 $0x1  }
0x17: {  	s4 =	simm.s32 $0x1BF5;
	[smem:$0x3FB9] =	sst s0  }
0x18: {  	s0 =	sld [smem:$0x3F9C];
	_ =	swait.ge [sflag:s4], $0x0  }
0x19: {  	s7 =	sld [smem:$0x3F9D]  }
0x1a: {  	s8 =	sadd.s32 $0xFFFFE003, lr  }
0x1b: {  	s9 =	sadd.s32 $0xFFFFFEF7, lr;
	s5 =	simm.s32 $0xFFFFFFFF;
	p2 =	slt.u32 s8, $0xFFFFF086  }
0x1c: {  	p1 =	slt.u32 s9, $0xF7A;
	s5 =	simm.s32 @!p2 $0x0  }
0x1d: {  	s5 =	simm.s32 @p1 $0x1;
	p0 =	seq.s32 s7, s2  }
0x1e: {  	s7 =	smul.u32 @!p0 $0xF7A, s2;
	p2 =	seq.s32 @!p0 s5, $0x0  }
0x1f: {  	s9 =	smul.u32 $0xF7A, s1;
	s8 =	simm.s32 @!p0 $0x1BF5;
	p2 =	por !p2, p0  }
0x20: {  	[sflag:s8] =	ssyncset.s32 @!p0 $0xFFFFF086;
	s6 =	sadd.s32 @!p0 s3, s7;
	s7 =	simm.s32 @!p0 $0x108  }
0x21: {  	s3 =	sadd.s32 s3, s9;
	s6 =	sadd.s32 @!p0 $0x88, s6;
	s7 =	simm.s32 @p2 $0x1082  }
0x22: {  	[simem:s7], [sflag:s8] =	dma.local @!p0 [hbm:s6], $0xF7A  }
0x23: {  	s9 =	sor.u32 $0xD0000000, s2;
	s6 =	simm.s32 $0x108;
	_ =	swait.ge @!p0 [sflag:s8], $0x0  }
0x24: {  	s3 =	sadd.s32 $0x88, s3;
	s6 =	simm.s32 @!p1 $0x1082;
	[sflag:s4] =	ssyncset.s32 $0xFFFFF086  }
0x25: {  	[simem:s6], [sflag:s4] =	dma.local [hbm:s3], $0xF7A  }
0x26: {  	[smem:$0x3F9D] =	sst s1;
	(tag) =	ssettag s2;
	_ =	strace s9  }
0x27: {  	s1 =	sld [smem:$0x3FAD]  }
0x28: {  	s2 =	sld [smem:$0x3FAE]  }
0x29: {  	s4 =	sld [smem:$0x3FB0]  }
0x2a: {  	p0 =	seq.s32 s5, $0x0;
	s5 =	sld [smem:$0x3FB1]  }
0x2b: {  	s6 =	sld [smem:$0x3FB2]  }
0x2c: {  	s7 =	sld [smem:$0x3FB3]  }
0x2d: {  	s3 =	simm.s32 $0x108;
	s8 =	sld [smem:$0x3FB4]  }
0x2e: {  	s3 =	simm.s32 @!p0 $0x1082;
	s9 =	sld [smem:$0x3FB5]  }
0x2f: {  	lr =	sadd.s32 s0, s3;
	s0 =	sld [smem:$0x3FAC]  }
0x30: {  	s3 =	sld [smem:$0x3FAF]  }
0x31: {  	[smem:$0x3FB8] =	sst s10  }
0x32: {  	s10 =	sld [smem:$0x3FB6];
	_ =	sdelay $0x3  }
0x33: {  	p0 =	seq.s32 s10, $0x1;
	s10 =	sld [smem:$0x3FB8];
	_ =	sdelay $0x3  }
0x34: {  	[smem:$0x3FB8] =	sst s10  }
0x35: {  	s10 =	sld [smem:$0x3FB7];
	_ =	sdelay $0x3  }
0x36: {  	p1 =	seq.s32 s10, $0x1;
	s10 =	sld [smem:$0x3FB8];
	_ =	sdelay $0x3  }
0x37: {  	[smem:$0x3FB8] =	sst s10  }
0x38: {  	s10 =	sld [smem:$0x3FB9]  }
0x39: {  	_ = 	snop;
	(pc) =	sbr.ind lr, $3  }
0x3a: {  	_ = 	snop  }
0x3b: {  	_ = 	snop  }
0x3c: {  	p2 =	seq.s32 s10, $0x1;
	s10 =	sld [smem:$0x3FB8]  }
0x3d: {  	_ =	shalt  }
0x3e: {  	_ =	shalt  }
0x3f: {  	_ =	shalt  }
0x40: {  	_ =	shalt  }
0x41: {  	_ =	shalt  }
0x42: {  	_ =	shalt  }
0x43: {  	_ =	shalt  }
0x44: {  	_ =	shalt  }
0x45: {  	_ =	shalt  }
0x46: {  	_ =	shalt  }
0x47: {  	_ =	shalt  }
0x48: {  	_ =	shalt  }
0x49: {  	_ =	shalt  }
0x4a: {  	_ =	shalt  }
0x4b: {  	_ =	shalt  }
0x4c: {  	_ =	shalt  }
0x4d: {  	_ =	shalt  }
0x4e: {  	_ =	shalt  }
0x4f: {  	_ =	shalt  }
0x50: {  	_ =	shalt  }
0x51: {  	_ =	shalt  }
0x52: {  	_ =	shalt  }
0x53: {  	_ =	shalt  }
0x54: {  	_ =	shalt  }
0x55: {  	_ =	shalt  }
0x56: {  	_ =	shalt  }
0x57: {  	_ =	shalt  }
0x58: {  	_ =	shalt  }
0x59: {  	_ =	shalt  }
0x5a: {  	_ =	shalt  }
0x5b: {  	_ =	shalt  }
0x5c: {  	_ =	shalt  }
0x5d: {  	_ =	shalt  }
0x5e: {  	_ =	shalt  }
0x5f: {  	_ =	shalt  }
0x60: {  	_ =	shalt  }
0x61: {  	_ =	shalt  }
0x62: {  	_ =	shalt  }
0x63: {  	_ =	shalt  }
0x64: {  	_ =	shalt  }
0x65: {  	_ =	shalt  }
0x66: {  	_ =	shalt  }
0x67: {  	_ =	shalt  }
0x68: {  	_ =	shalt  }
0x69: {  	_ =	shalt  }
0x6a: {  	_ =	shalt  }
0x6b: {  	_ =	shalt  }
0x6c: {  	_ =	shalt  }
0x6d: {  	_ =	shalt  }
0x6e: {  	_ =	shalt  }
0x6f: {  	_ =	shalt  }
0x70: {  	_ =	shalt  }
0x71: {  	_ =	shalt  }
0x72: {  	_ =	shalt  }
0x73: {  	_ =	shalt  }
0x74: {  	_ =	shalt  }
0x75: {  	_ =	shalt  }
0x76: {  	_ =	shalt  }
0x77: {  	_ =	shalt  }
0x78: {  	_ =	shalt  }
0x79: {  	_ =	shalt  }
0x7a: {  	_ =	shalt  }
0x7b: {  	_ =	shalt  }
0x7c: {  	_ =	shalt  }
0x7d: {  	_ =	shalt  }
0x7e: {  	_ =	shalt  }
0x7f: {  	_ =	shalt  }
0x80: {  	_ =	shalt  }
0x81: {  	_ =	shalt  }
0x82: {  	_ =	shalt  }
0x83: {  	_ =	shalt  }
0x84: {  	_ =	shalt  }
0x85: {  	_ =	shalt  }
0x86: {  	_ =	shalt  }
0x87: {  	_ =	shalt  }
.Lfunc_end0:
.L_simem_size_0:
called_computation.1_lowered:
.L_overlay_start_0:
0x88: {  	s2 =	sld [smem:$0x3FD9]  }
0x89: {  	s3 =	sld [smem:$0x3FFE];
	_ =	sdelay $0x1  }
0x8a: {  	s1 =	srdreg.scid  }
0x8b: {  	s0 =	sand.u32 $0x1, s1  }
0x8c: {  	s17 =	sshll.u32 s0, $0xA;
	s2 =	sadd.s32 s3, s2  }
0x8d: {  	s2 =	sadd.s32 s2, s17  }
0x8e: {  	[smem:$0x3FC4] =	sst s2  }
0x8f: {  	_ = 	snop  }
0x90: {  	s2 =	sld [smem:$0x3FD0];
	(tm) =	ssettm $0x1  }
0x91: {  	s18 =	sld [smem:$0x3FFB];
	_ =	sdelay $0x3  }
0x92: {  	_ =	strace s18  }
0x93: {  	s3 =	sld [smem:$0x3FFC];
	_ =	sdelay $0x3  }
0x94: {  	_ =	strace s3  }
0x95: {  	s3 =	sld [smem:$0x3FFD];
	_ =	sdelay $0x3  }
0x96: {  	_ =	strace s3  }
0x97: {  	_ =	strace $0x8FFFFFFF  }
0x98: {  	s19 =	sld [smem:$0x3FDB];
	_ =	sdelay $0x1  }
0x99: {  	s4 =	simm.s32 $_scs_section_size  }
0x9a: {  	s5 =	simm.s32 $_size__tile_overlayer_lowered;
	s6 =	simm.s32 $_tile_overlayer_lowered  }
0x9b: {  	s22 =	simm.s32 $0x1BFF;
	s21 =	sshll.u32 s6, $0x1;
	s3 =	sadd.s32 s4, s19  }
0x9c: {  	s7 =	simm.s32 $0x0;
	s20 =	sshll.u32 s5, $0x1;
	s5 =	sadd.s32 s21, s3  }
0x9d: {  	[timem:s7], [sflag:s22] =	dma.local [hbm:s5], s20  }
0x9e: {  	_ =	swait.ge [sflag:s22], s20  }
0x9f: {  	s4 =	ssub.s32 $0x0, s20;
	[sflag:s22] =	ssyncset.done $0x0  }
0xa0: {  	[sflag:s22] =	ssyncadd.s32 s4;
	_ =	sdelay $0x1  }
0xa1: {  	s23 =	simm.s32 $0x1B8B  }
0xa2: {  	_ =	swait.ge [sflag:s23], $0x1  }
0xa3: {  	[sflag:s23] =	ssyncset.done $0x0  }
0xa4: {  	s25 =	simm.s32 $0x1B8E;
	s24 =	sld [smem:$0x3FFE];
	[sflag:s23] =	ssyncadd.s32 $0xFFFFFFFF  }
0xa5: {  	s26 =	simm.s32 $execute0_lowered;
	[smem:$0x3FD2] =	sst s25  }
0xa6: {  	s5 =	sshll.u32 s26, $0x1;
	_ =	strace $0x80000049;
	[dreg:$0x1] =	wrdreg $0xFFFFFFFF  }
0xa7: {  	s28 =	simm.s32 $_size_execute0_lowered;
	s3 =	sadd.s32 s3, s5;
	[dreg:$0x0] =	wrdreg $0x0  }
0xa8: {  	s5 =	sshll.u32 s28, $0x1;
	[dreg:$0x2] =	wrdreg s3  }
0xa9: {  	[dreg:$0x3] =	wrdreg s5  }
0xaa: {  	[dreg:$0x4] =	wrdreg $0xC0  }
0xab: {  	_ =	task [dreg:s7], $0x5FFFF  }
0xac: {  	[dreg:$0x1] =	wrdreg $0xFFFFFFFF  }
0xad: {  	[dreg:$0x0] =	wrdreg $0x60  }
0xae: {  	[dreg:$0x2] =	wrdreg s24  }
0xaf: {  	[dreg:$0x3] =	wrdreg s2  }
0xb0: {  	[dreg:$0x4] =	wrdreg $0x90000  }
0xb1: {  	[dreg:$0x5] =	wrdreg $0x9  }
0xb2: {  	_ =	task.clear_ibuf [dreg:s7], $0x6FFFF;
	_ =	strace $0x90000049  }
0xb3: {  	s29 =	simm.s32 $0x9;
	_ =	strace $0x8000004B  }
0xb4: {  	_ =	swait.ge [sflag:s29], $0x1  }
0xb5: {  	[sflag:s29] =	ssyncadd.s32 $0xFFFFFFFF  }
0xb6: {  	_ =	strace $0x9000004B  }
0xb7: {  	_ =	sfence  }
0xb8: {  	s30 =	sld [smem:$0x0];
	_ =	sdelay $0x2  }
0xb9: {  	s31 =	sshll.u32 s1, $0xD;
	s1 =	sshrl.u32 s1, $0x2  }
0xba: {  	s3 =	sand.u32 $0x4000, s31;
	s1 =	sadd.s32 s1, s30  }
0xbb: {  	s0 =	sor.u32 s3, s0;
	s1 =	sshll.u32 s1, $0x11  }
0xbc: {  	s0 =	sor.u32 s1, s0  }
0xbd: {  	s0 =	sadd.s32 $0x8F2B, s0  }
0xbe: {  	[sflag:s0] =	ssyncadd.remote.s32 $0x1  }
0xbf: {  	_ =	sfence.sel $0xFFFF  }
0xc0: {  	[dreg:$0x0] =	wrdreg $0xFFFFFFFF;
	(pc) =	sbr.abs _section_cstart, $3  }
0xc1: {  	[dreg:$0x1] =	wrdreg $0xFFFFFFFF  }
0xc2: {  	_ =	task.clear_ibuf [dreg:s7], $0x2FFFF;
	_ =	strace $0x9FFFFFFF  }
0xc3: {  	(tm) =	ssettm $0x7FFFFFFF  }
tec
execute0_lowered:
.L_overlay_start_1:
0x0: {  	(tag) =	ssettag $0x1  }
0x1: {  	s5 =	rddreg [dreg:$0x0]  }
0x2: {  	s0 =	srdreg.scid;
	s16 =	rddreg [dreg:$0x1]  }
0x3: {  	s2 =	rddreg [dreg:$0x2];
	s12 =	sand.u32 $0x1, s0;
	s0 =	stileid.u32  }
0x4: {  	s3 =	simm.s32 $0x0;
	s28 =	simm.s32 $0x0;
	s11 =	smul.u32 $0x278, s0  }
0x5: {  	[smem:$0x7FF] =	sst s3;
	s21 =	sadd.s32 $0x28C00, s5;
	s15 =	smul.u32 $0x13C00, s0  }
0x6: {  	s1 =	sshll.u32 s12, $0x4;
	_ =	strace $0x8000004A;
	s8 =	smul.u32 $0x4F000, s0  }
0x7: {  	s6 =	ssub.s32 $0x2, s12;
	s24 =	smul.u32 $0x13C000, s12;
	s4 =	sor.u32 s0, s1  }
0x8: {  	s7 =	sshrl.u32 s6, $0x1;
	s17 =	smul.u32 $0x500, s4;
	s4 =	sadd.s32 $0x1400, s5  }
0x9: {  	s22 =	ssub.s32 s6, s7;
	s26 =	sshrl.u32 s15, $0x3;
	s29 =	sshrl.u32 s8, $0x2  }
0xa: {  	s30 =	sadd.s32 $0x80, s11;
	s9 =	sadd.s32 $0x100, s11;
	s13 =	sadd.s32 $0x180, s11  }
0xb: {  	s14 =	sadd.s32 $0x200, s11;
	s6 =	sadd.s32 s29, s2;
	s31 =	sshll.u32 s30, $0x4  }
0xc: {  	s19 =	sshll.u32 s30, $0x7;
	s20 =	sshll.u32 s9, $0x7;
	s9 =	sshll.u32 s9, $0x4  }
0xd: {  	s23 =	sshll.u32 s13, $0x7;
	s13 =	sshll.u32 s13, $0x4;
	s1 =	sshll.u32 s14, $0x4  }
0xe: {  	s25 =	sshll.u32 s14, $0x7;
	s22 =	smax.u32 s22, $0x1;
	s18 =	sadd.s32 s17, s5  }
0xf: {  	s5 =	sadd.s32 s4, s26;
	s7 =	sadd.s32 s4, s31;
	s8 =	sadd.s32 s19, s2  }
0x10: {  	s9 =	sadd.s32 s4, s9;
	s10 =	sadd.s32 s20, s2;
	s11 =	sadd.s32 s4, s13  }
0x11: {  	s12 =	sadd.s32 s23, s2;
	s13 =	sadd.s32 s4, s1;
	s14 =	sadd.s32 s25, s2  }
0x12: {  	s26 =	sadd.s32 s15, s24;
	s19 =	sadd.s32 s24, s19;
	s16 =	sadd.s32 s16, s17  }
0x13: {  	s29 =	sadd.s32 s24, s20;
	s30 =	sadd.s32 s24, s23;
	s31 =	sadd.s32 s24, s25  }
0x14: {  	s24 =	simm.s32 $0x1;
	s25 =	simm.s32 $0x2800;
	s15 =	sadd.s32 $0x77C00, s18  }
0x15: {  	s26 =	sshrl.u32 s26, $0x3;
	s19 =	sshrl.u32 s19, $0x3;
	s20 =	sshrl.u32 s30, $0x3  }
0x16: {  	s23 =	sshrl.u32 s31, $0x3;
	s17 =	sadd.s32 s21, s26;
	s18 =	sadd.s32 s21, s19  }
0x17: {  	s19 =	sshrl.u32 s29, $0x3;
	s20 =	sadd.s32 s21, s20;
	s26 =	simm.s32 $0x80  }
0x18: {  	s19 =	sadd.s32 s21, s19;
	s21 =	sadd.s32 s21, s23;
	s23 =	simm.s32 $0x5000  }
.LBB2_1:
0x19: {  	[tilespmem:s23], [sflag:$0x1] =	stream.linear.gather [hbm4b:s5+s3], $0x4000, $0x38;
	[tilespmem:$0x1CC00] =	vst v63  }
0x1a: {  	_ =	swait.ge [sflag:s24], $0x4000  }
0x1b: {  	[sflag:s24] =	ssyncset.done $0x0  }
0x1c: {  	[sflag:s24] =	ssyncadd.s32 $0xFFFFC000  }
0x1d: {  	[spmem:s6] =	stream.linear.scatter [tilespmem:s23], [sflag:$0x1], $0x4000, $0x38;
	[tilespmem:$0x1CC00] =	vst v63  }
0x1e: {  	_ =	swait.ge [sflag:s24], $0x4000  }
0x1f: {  	[sflag:s24] =	ssyncset.done $0x0  }
0x20: {  	[sflag:s24] =	ssyncadd.s32 $0xFFFFC000  }
0x21: {  	[tilespmem:s23], [sflag:$0x1] =	stream.linear.gather [hbm4b:s7+s3], $0x4000, $0x38;
	[tilespmem:$0x1CC00] =	vst v63  }
0x22: {  	_ =	swait.ge [sflag:s24], $0x4000  }
0x23: {  	[sflag:s24] =	ssyncset.done $0x0  }
0x24: {  	[sflag:s24] =	ssyncadd.s32 $0xFFFFC000  }
0x25: {  	[spmem:s8] =	stream.linear.scatter [tilespmem:s23], [sflag:$0x1], $0x4000, $0x38;
	[tilespmem:$0x1CC00] =	vst v63  }
0x26: {  	_ =	swait.ge [sflag:s24], $0x4000  }
0x27: {  	[sflag:s24] =	ssyncset.done $0x0  }
0x28: {  	[sflag:s24] =	ssyncadd.s32 $0xFFFFC000  }
0x29: {  	[tilespmem:s23], [sflag:$0x1] =	stream.linear.gather [hbm4b:s9+s3], $0x4000, $0x38;
	[tilespmem:$0x1CC00] =	vst v63  }
0x2a: {  	_ =	swait.ge [sflag:s24], $0x4000  }
0x2b: {  	[sflag:s24] =	ssyncset.done $0x0  }
0x2c: {  	[sflag:s24] =	ssyncadd.s32 $0xFFFFC000  }
0x2d: {  	[spmem:s10] =	stream.linear.scatter [tilespmem:s23], [sflag:$0x1], $0x4000, $0x38;
	[tilespmem:$0x1CC00] =	vst v63  }
0x2e: {  	_ =	swait.ge [sflag:s24], $0x4000  }
0x2f: {  	[sflag:s24] =	ssyncset.done $0x0  }
0x30: {  	[sflag:s24] =	ssyncadd.s32 $0xFFFFC000  }
0x31: {  	[tilespmem:s23], [sflag:$0x1] =	stream.linear.gather [hbm4b:s11+s3], $0x4000, $0x38;
	[tilespmem:$0x1CC00] =	vst v63  }
0x32: {  	_ =	swait.ge [sflag:s24], $0x4000  }
0x33: {  	[sflag:s24] =	ssyncset.done $0x0  }
0x34: {  	[sflag:s24] =	ssyncadd.s32 $0xFFFFC000  }
0x35: {  	[spmem:s12] =	stream.linear.scatter [tilespmem:s23], [sflag:$0x1], $0x4000, $0x38;
	[tilespmem:$0x1CC00] =	vst v63  }
0x36: {  	_ =	swait.ge [sflag:s24], $0x4000  }
0x37: {  	[sflag:s24] =	ssyncset.done $0x0  }
0x38: {  	[sflag:s24] =	ssyncadd.s32 $0xFFFFC000  }
0x39: {  	[tilespmem:s23], [sflag:$0x1] =	stream.linear.gather [hbm4b:s13+s3], $0x3C00, $0x38;
	[tilespmem:$0x1CC00] =	vst v63  }
0x3a: {  	_ =	swait.ge [sflag:s24], $0x3C00  }
0x3b: {  	[sflag:s24] =	ssyncset.done $0x0  }
0x3c: {  	[sflag:s24] =	ssyncadd.s32 $0xFFFFC400  }
0x3d: {  	[spmem:s14] =	stream.linear.scatter [tilespmem:s23], [sflag:$0x1], $0x3C00, $0x38;
	[tilespmem:$0x1CC00] =	vst v63  }
0x3e: {  	_ =	swait.ge [sflag:s24], $0x3C00  }
0x3f: {  	[sflag:s24] =	ssyncset.done $0x0  }
0x40: {  	[sflag:s24] =	ssyncadd.s32 $0xFFFFC400  }
0x41: {  	[tilespmem:s3], [sflag:$0x1] =	stream.linear.gather [hbm4b:s15+s3], $0x2780, $0x38;
	[tilespmem:$0x1CC00] =	vst v63  }
0x42: {  	_ =	swait.ge [sflag:s24], $0x2780  }
0x43: {  	[sflag:s24] =	ssyncset.done $0x0  }
0x44: {  	[sflag:s24] =	ssyncadd.s32 $0xFFFFD880  }
0x45: {  	[tilespmem:s25], [sflag:$0x1] =	stream.linear.gather [hbm4b:s16+s3], $0x2780, $0x38;
	[tilespmem:$0x1CC00] =	vst v63  }
0x46: {  	_ =	swait.ge [sflag:s24], $0x2780  }
0x47: {  	[sflag:s24] =	ssyncset.done $0x0  }
0x48: {  	[sflag:s24] =	ssyncadd.s32 $0xFFFFD880  }
0x49: {  	s29 =	simm.s32 $0x0;
	[bflag:$0x0] =	sbarrier.arrive $0xFFFF  }
0x4a: {  	[tilespmem:s23], [sflag:$0x1] =	stream.indirect.gather [hbm4b:s4+s26], $0x80, s29, s26, $0xb8;
	[tilespmem:$0x1CC00] =	vst v63  }
0x4b: {  	_ =	swait.ge [sflag:s24], $0x4000  }
0x4c: {  	[sflag:s24] =	ssyncset.done $0x0  }
0x4d: {  	s29 =	simm.s32 $0x2800;
	[sflag:s24] =	ssyncadd.s32 $0xFFFFC000  }
0x4e: {  	[spmem:s2] =	stream.indirect.scatter.add.f32 [tilespmem:s23], [sflag:$0x1], $0x80, s29, s26, $0xb8;
	[tilespmem:$0x1CC00] =	vst v63  }
0x4f: {  	_ =	swait.ge [sflag:s24], $0x4000  }
0x50: {  	s30 =	simm.s32 $0x400;
	s29 =	simm.s32 $0x200;
	[sflag:s24] =	ssyncset.done $0x0  }
.LBB2_2:
0x51: {  	s31 =	sshra.s32 s29, $0x2  }
0x52: {  	[sflag:s24] =	ssyncadd.s32 $0xFFFFC000;
	s29 =	smov.u32 s30;
	s1 =	sadd.s32 $0x200, s30  }
0x53: {  	[tilespmem:s23], [sflag:$0x1] =	stream.indirect.gather [hbm4b:s4+s26], $0x80, s31, s26, $0xb8;
	[tilespmem:$0x1CC00] =	vst v63  }
0x54: {  	p0 =	sne.s32 s30, $0x9C00;
	_ =	swait.ge [sflag:s24], $0x4000  }
.Ltmp0:
0x55: {  	[sflag:s24] =	ssyncset.done $0x0;
	(pc) =	sbr.rel @p0 .LBB2_2-.Ltmp0, $4  }
0x56: {  	s30 =	sadd.s32 $0x2800, s31;
	[sflag:s24] =	ssyncadd.s32 $0xFFFFC000  }
0x57: {  	[spmem:s2] =	stream.indirect.scatter.add.f32 [tilespmem:s23], [sflag:$0x1], $0x80, s30, s26, $0xb8;
	[tilespmem:$0x1CC00] =	vst v63  }
0x58: {  	_ =	swait.ge [sflag:s24], $0x4000  }
0x59: {  	s30 =	smov.u32 s1;
	[sflag:s24] =	ssyncset.done $0x0  }
0x5a: {  	s1 =	sshra.s32 s29, $0x2;
	[sflag:s24] =	ssyncadd.s32 $0xFFFFC000  }
0x5b: {  	[tilespmem:s23], [sflag:$0x1] =	stream.indirect.gather [hbm4b:s4+s26], $0x80, s1, s26, $0xb8;
	[tilespmem:$0x1CC00] =	vst v63  }
0x5c: {  	_ =	swait.ge [sflag:s24], $0x4000  }
0x5d: {  	[sflag:s24] =	ssyncset.done $0x0  }
0x5e: {  	s1 =	sadd.s32 $0x2800, s1;
	[sflag:s24] =	ssyncadd.s32 $0xFFFFC000  }
0x5f: {  	[spmem:s2] =	stream.indirect.scatter.add.f32 [tilespmem:s23], [sflag:$0x1], $0x80, s1, s26, $0xb8;
	[tilespmem:$0x1CC00] =	vst v63  }
0x60: {  	_ =	swait.ge [sflag:s24], $0x4000  }
0x61: {  	[sflag:s24] =	ssyncset.done $0x0  }
0x62: {  	[sflag:s24] =	ssyncadd.s32 $0xFFFFC000  }
0x63: {  	[bflag:$0x0] =	sbarrier.arrive $0xFFFF  }
0x64: {  	[tilespmem:s23], [sflag:$0x1] =	stream.linear.gather [spmem:s6], $0x4000, $0x38;
	[tilespmem:$0x1CC00] =	vst v63  }
0x65: {  	_ =	swait.ge [sflag:s24], $0x4000  }
0x66: {  	[sflag:s24] =	ssyncset.done $0x0  }
0x67: {  	[sflag:s24] =	ssyncadd.s32 $0xFFFFC000  }
0x68: {  	[hbm4b:s17+s3] =	stream.linear.scatter [tilespmem:s23], [sflag:$0x1], $0x4000, $0x38;
	[tilespmem:$0x1CC00] =	vst v63  }
0x69: {  	_ =	swait.ge [sflag:s24], $0x4000  }
0x6a: {  	[sflag:s24] =	ssyncset.done $0x0  }
0x6b: {  	[sflag:s24] =	ssyncadd.s32 $0xFFFFC000  }
0x6c: {  	[tilespmem:s23], [sflag:$0x1] =	stream.linear.gather [spmem:s8], $0x4000, $0x38;
	[tilespmem:$0x1CC00] =	vst v63  }
0x6d: {  	_ =	swait.ge [sflag:s24], $0x4000  }
0x6e: {  	[sflag:s24] =	ssyncset.done $0x0  }
0x6f: {  	[sflag:s24] =	ssyncadd.s32 $0xFFFFC000  }
0x70: {  	[hbm4b:s18+s3] =	stream.linear.scatter [tilespmem:s23], [sflag:$0x1], $0x4000, $0x38;
	[tilespmem:$0x1CC00] =	vst v63  }
0x71: {  	_ =	swait.ge [sflag:s24], $0x4000  }
0x72: {  	[sflag:s24] =	ssyncset.done $0x0  }
0x73: {  	[sflag:s24] =	ssyncadd.s32 $0xFFFFC000  }
0x74: {  	[tilespmem:s23], [sflag:$0x1] =	stream.linear.gather [spmem:s10], $0x4000, $0x38;
	[tilespmem:$0x1CC00] =	vst v63  }
0x75: {  	_ =	swait.ge [sflag:s24], $0x4000  }
0x76: {  	[sflag:s24] =	ssyncset.done $0x0  }
0x77: {  	[sflag:s24] =	ssyncadd.s32 $0xFFFFC000  }
0x78: {  	[hbm4b:s19+s3] =	stream.linear.scatter [tilespmem:s23], [sflag:$0x1], $0x4000, $0x38;
	[tilespmem:$0x1CC00] =	vst v63  }
0x79: {  	_ =	swait.ge [sflag:s24], $0x4000  }
0x7a: {  	[sflag:s24] =	ssyncset.done $0x0  }
0x7b: {  	[sflag:s24] =	ssyncadd.s32 $0xFFFFC000  }
0x7c: {  	[tilespmem:s23], [sflag:$0x1] =	stream.linear.gather [spmem:s12], $0x4000, $0x38;
	[tilespmem:$0x1CC00] =	vst v63  }
0x7d: {  	_ =	swait.ge [sflag:s24], $0x4000  }
0x7e: {  	[sflag:s24] =	ssyncset.done $0x0  }
0x7f: {  	[sflag:s24] =	ssyncadd.s32 $0xFFFFC000  }
0x80: {  	[hbm4b:s20+s3] =	stream.linear.scatter [tilespmem:s23], [sflag:$0x1], $0x4000, $0x38;
	[tilespmem:$0x1CC00] =	vst v63  }
0x81: {  	_ =	swait.ge [sflag:s24], $0x4000  }
0x82: {  	[sflag:s24] =	ssyncset.done $0x0  }
0x83: {  	[sflag:s24] =	ssyncadd.s32 $0xFFFFC000  }
0x84: {  	[tilespmem:s23], [sflag:$0x1] =	stream.linear.gather [spmem:s14], $0x3C00, $0x38;
	[tilespmem:$0x1CC00] =	vst v63  }
0x85: {  	s28 =	sadd.s32 $0x1, s28;
	_ =	swait.ge [sflag:s24], $0x3C00  }
0x86: {  	p0 =	sne.s32 s28, s22;
	[sflag:s24] =	ssyncset.done $0x0  }
.Ltmp1:
0x87: {  	[sflag:s24] =	ssyncadd.s32 $0xFFFFC400;
	(pc) =	sbr.rel @p0 .LBB2_1-.Ltmp1, $4  }
0x88: {  	[hbm4b:s21+s3] =	stream.linear.scatter [tilespmem:s23], [sflag:$0x1], $0x3C00, $0x38;
	[tilespmem:$0x1CC00] =	vst v63  }
0x89: {  	_ =	swait.ge [sflag:s24], $0x3C00  }
0x8a: {  	[sflag:s24] =	ssyncset.done $0x0  }
0x8b: {  	[sflag:s24] =	ssyncadd.s32 $0xFFFFC400  }
0x8c: {  	_ =	sfence.sel $0x180000  }
0x8d: {  	[bflag:$0x0] =	sbarrier.arrive $0xFFFF  }
0x8e: {  	_ =	strace $0x9000004A  }
0x8f: {  	[bflag:$0x2] =	sbarrier.arrive $0xFFFF  }
0x90: {  	p0 =	sne.s32 s0, $0x0;
	s0 =	rddreg [dreg:$0x3]  }
0x91: {  	s0 =	sadd.s32 @!p0 $0x100000, s0  }
0x92: {  	[sflag:s0] =	ssyncadd.tile.s32 @!p0 $0x1;
	_ =	shalt  }
.Lfunc_end2:
_tile_overlayer_lowered:
.L_overlay_start_2:
0x93: {  	(tag) =	ssettag $0x2  }
0x94: {  	s0 =	rddreg [dreg:$0x0];
	s2 =	stileid.u32  }
0x95: {  	s1 =	rddreg [dreg:$0x1];
	p0 =	sne.s32 s2, $0x0  }
0x96: {  	s3 =	rddreg [dreg:$0x2];
	[bflag:$0x3] =	sbarrier.arrive $0xFFFF;
	s2 =	simm.s32 @!p0 $0x1C01  }
0x97: {  	[timem:s3], [sflag:s2] =	dma.local @!p0 [hbm:s0], s1  }
0x98: {  	s0 =	simm.s32 @!p0 $0x1  }
0x99: {  	_ =	swait.ge @!p0 [sflag:s0], s1  }
0x9a: {  	s1 =	ssub.s32 @!p0 $0x0, s1;
	[sflag:s0] =	ssyncset.done @!p0 $0x0  }
0x9b: {  	[sflag:s0] =	ssyncadd.s32 @!p0 s1  }
0x9c: {  	[bflag:$0x3] =	sbarrier.arrive $0xFFFF  }
0x9d: {  	_ =	shalt  }

</sc_bundles>
